<compile_context>
chip_gen: v7x
topology: tpu7x:2x2x1
jax: 0.10.2.dev20260603
libtpu: 0.0.44.dev20260713+nightly
codegen_flags: <defaults>
</compile_context>

<pallas_src>
import functools

import jax
import jax.numpy as jnp
from jax import lax
from jax.experimental import pallas as pl
from jax.experimental.pallas import tpu as pltpu
from jax.experimental.pallas import tpu_sc as plsc

V_TOTAL = 100000

NC, NS = 2, 16
NW = NC * NS
LN = 16

ZCHUNK = 40000
CAP = 12832
SENTINEL = 2**31 - 1

_SC_PARAMS = pltpu.CompilerParams(use_tc_tiling_on_sc=False,
                                  needs_layout_passes=False)


def _softmax_body(wes_ref, w_ref):
    w = wes_ref[...]
    n = jnp.sqrt(jnp.sum(w * w, axis=0))
    m = jnp.max(n, axis=-1, keepdims=True)
    e = jnp.exp(n - m)
    w_ref[...] = e / jnp.sum(e, axis=-1, keepdims=True)


@functools.cache
def _build_softmax(B, L, D):
    BB = 64
    return pl.pallas_call(
        _softmax_body,
        grid=(B // BB,),
        in_specs=[pl.BlockSpec((D, BB, L), lambda i: (0, i, 0))],
        out_specs=pl.BlockSpec((BB, L), lambda i: (i, 0)),
        out_shape=jax.ShapeDtypeStruct((B, L), jnp.float32),
    )


def _mesh():
    return plsc.VectorSubcoreMesh(core_axis_name="c", subcore_axis_name="s",
                                  num_cores=NC, num_subcores=NS)


@functools.cache
def _build_zero(B):
    NTOT = B * V_TOTAL
    ZSLICE = NTOT // NW
    NZDMA = ZSLICE // ZCHUNK
    assert ZSLICE % ZCHUNK == 0 and ZCHUNK % 8 == 0

    @functools.partial(
        pl.kernel,
        out_type=jax.ShapeDtypeStruct((NTOT,), jnp.float32),
        mesh=_mesh(),
        scratch_types=[
            pltpu.VMEM((ZCHUNK,), jnp.float32),
            pltpu.SemaphoreType.DMA,
        ],
        compiler_params=_SC_PARAMS,
    )
    def sc_zero(out_hbm, zero_buf, zsem):
        wid = lax.axis_index("s") * NC + lax.axis_index("c")
        zbase = wid * ZSLICE

        def zinit(i, _):
            zero_buf[pl.ds(pl.multiple_of(i * LN, LN), LN)] = jnp.zeros(
                (LN,), jnp.float32)
            return 0
        lax.fori_loop(0, ZCHUNK // LN, zinit, 0)

        def zfire(i, _):
            pltpu.async_copy(
                zero_buf, out_hbm.at[pl.ds(zbase + i * ZCHUNK, ZCHUNK)], zsem)
            return 0
        lax.fori_loop(0, NZDMA, zfire, 0)

        def zdrain(i, _):
            pltpu.make_async_copy(
                zero_buf, out_hbm.at[pl.ds(zbase + i * ZCHUNK, ZCHUNK)],
                zsem).wait()
            return 0
        lax.fori_loop(0, NZDMA, zdrain, 0)

    return sc_zero


@functools.cache
def _build_scatter(B, L):
    NPAIR = B * L
    NPW = NPAIR // NW
    NSTG = NPW + LN
    NPAD = NPAIR + LN
    NCHUNK = NPW // 128
    NV = (NPW + 2 + LN - 1) // LN
    BSHIFT = B.bit_length() - 1
    assert NPAIR % NW == 0 and NPW % 128 == 0 and (1 << BSHIFT) == B

    @functools.partial(
        pl.kernel,
        mesh=_mesh(),
        scratch_types=[
            pltpu.VMEM((NSTG,), jnp.int32),
            pltpu.VMEM((NSTG,), jnp.float32),
            pltpu.VMEM((NSTG,), jnp.float32),
            pltpu.VMEM((NCHUNK, 128), jnp.int32),
            pltpu.VMEM((NCHUNK, 128), jnp.float32),
            pltpu.SemaphoreType.DMA,
            pltpu.SemaphoreType.DMA,
        ],
        compiler_params=_SC_PARAMS,
    )
    def sc_scatter(keys_hbm, vals_hbm, out_hbm,
                   kbuf, vbuf_a, vbuf_b, ckey, cval, psem, ssem):
        wid = lax.axis_index("s") * NC + lax.axis_index("c")
        iota = lax.iota(jnp.int32, LN)
        start = pl.multiple_of(wid * NPW, 8)

        pltpu.async_copy(keys_hbm.at[pl.ds(start, NSTG)], kbuf, psem)
        pltpu.async_copy(vals_hbm.at[pl.ds(start, NSTG)], vbuf_a, psem)
        pltpu.make_async_copy(
            keys_hbm.at[pl.ds(start, NSTG)], kbuf, psem).wait()
        pltpu.make_async_copy(
            vals_hbm.at[pl.ds(start, NSTG)], vbuf_a, psem).wait()

        def prop(src, dst):
            def body(i, _):
                off = pl.multiple_of(i * LN, LN)
                k0 = kbuf[pl.ds(off, LN)]
                v0 = src[pl.ds(off, LN)]
                q1 = off + 1 + iota
                k1 = plsc.load_gather(kbuf, [q1])
                v1 = plsc.load_gather(src, [q1])
                dst[pl.ds(off, LN)] = jnp.where(k1 == k0, v1, v0)
                return 0
            lax.fori_loop(0, NV, body, 0)

        prop(vbuf_a, vbuf_b)
        prop(vbuf_b, vbuf_a)

        def cbuild(i, _):
            off = pl.multiple_of(i * 128, 128)
            for k in range(128 // LN):
                sl = pl.ds(off + k * LN, LN)
                csl = pl.ds(k * LN, LN)
                ckey[i, csl] = kbuf[sl]
                cval[i, csl] = vbuf_a[sl]
            return 0
        lax.fori_loop(0, NCHUNK, cbuild, 0)

        def sfire(i, _):
            pltpu.async_copy(cval.at[i], out_hbm.at[ckey.at[i]], ssem)
            return 0
        lax.fori_loop(0, NCHUNK, sfire, 0)

        def sdrain(i, _):
            pltpu.make_async_copy(
                cval.at[i], out_hbm.at[ckey.at[i]], ssem).wait()
            return 0
        lax.fori_loop(0, NCHUNK, sdrain, 0)

    return sc_scatter, NPAD


def kernel(w_es, x):
    B, L, D = w_es.shape
    xi = x.astype(jnp.int32)

    zeros_flat = _build_zero(B)()
    weights = _build_softmax(B, L, D)(jnp.transpose(w_es, (2, 0, 1)))

    keys = (xi * B + jnp.arange(B, dtype=jnp.int32)[:, None]).reshape(-1)
    vals = weights.reshape(-1)
    skeys, svals = lax.sort((keys, vals), dimension=0, num_keys=1,
                            is_stable=False)

    sc, npad = _build_scatter(B, L)
    pad = npad - B * L
    skeys_p = jnp.concatenate([skeys, jnp.full((pad,), SENTINEL, jnp.int32)])
    svals_p = jnp.concatenate([svals, jnp.zeros((pad,), jnp.float32)])

    out_ref = jax.new_ref(zeros_flat)
    sc(skeys_p, svals_p, out_ref)
    out_flat = out_ref[...]
    return out_flat.reshape(V_TOTAL, B).T, weights

# --- scband reference (transcript-rebuilt; emitter-appended) ---
"""Pipeline reference for scband-one-hot-weighted-average-74234214744157 (READ-ONLY COPY).

The authoritative reference and input builder live on the scoring server;
editing this copy changes nothing except your own understanding.
"""

import jax, jax.numpy as jnp
import numpy as np

V_SIZE = 100000
B, L, D = 1024, 200, 64


def weighting_scheme(w_es, x):
    # per-token scalar weights from embedding norms, softmax-normalized over seq
    norms = jnp.linalg.norm(w_es, axis=-1)
    return jax.nn.softmax(norms, axis=-1)


def setup_inputs(seed: int = 0) -> dict:
    key = jax.random.key(seed)
    k1, k2 = jax.random.split(key)
    w_es = jax.random.normal(k1, (B, L, D), dtype=jnp.float32)
    x = jax.random.randint(k2, (B, L), 0, V_SIZE, dtype=jnp.int32)
    return {"w_es": w_es, "x": x}


def reference(w_es, x):
    # weights = weighting_scheme(w_es, instance)
    weights = weighting_scheme(w_es, x)
    # w_a = zeros(B, v_size); w_a[b][idx] = weights[b][i]  (scatter-overwrite)
    rows = jnp.arange(w_es.shape[0])[:, None]
    w_a = jnp.zeros((w_es.shape[0], V_SIZE), dtype=weights.dtype)
    w_a = w_a.at[rows, x].set(weights)
    return (w_a, weights)

if __name__ == "__main__":
    import jax
    _d = setup_inputs()
    print(jax.jit(kernel)(*tuple(_d.values())))

</pallas_src>

<mosaic_0001>
#map = affine_map<(d0, d1) -> (0)>
module attributes {stable_mosaic.version = 14 : i64} {
  func.func @new_body(%arg0: i32, %arg1: i32, %arg2: memref<204816xi32, #tpu.memory_space<hbm>>, %arg3: memref<204816xf32, #tpu.memory_space<hbm>>, %arg4: memref<102400000xf32, #tpu.memory_space<hbm>>, %arg5: memref<102400000xf32, #tpu.memory_space<hbm>>, %arg6: memref<6416xi32, #tpu.memory_space<vmem>>, %arg7: memref<6416xf32, #tpu.memory_space<vmem>>, %arg8: memref<6416xf32, #tpu.memory_space<vmem>>, %arg9: memref<50x128xi32, #tpu.memory_space<vmem>>, %arg10: memref<50x128xf32, #tpu.memory_space<vmem>>, %arg11: memref<!tpu.dma_semaphore, #tpu.memory_space<semaphore_mem>>, %arg12: memref<!tpu.dma_semaphore, #tpu.memory_space<semaphore_mem>>) attributes {dimension_semantics = [#tpu.dimension_semantics<core_parallel>, #tpu.dimension_semantics<subcore_parallel>], iteration_bounds = array<i64: 2, 16>, scalar_prefetch = 0 : i64, scratch_operands = 7 : i64, tpu.core_type = #tpu.core_type<sc_vector_subcore>, window_params = [{transform_indices = #map}, {transform_indices = #map}, {transform_indices = #map}, {transform_indices = #map}]} {
    %mul3A = arith.constant 2 : i32
    %mul3A_0 = arith.muli %arg1, %mul3A : i32
    %add3A = arith.addi %mul3A_0, %arg0 : i32
    %iota3A = tpu.iota {dimensions = array<i32: 0>} : vector<16xi32>
    %mul3A_1 = arith.constant 6400 : i32
    %mul3A_2 = arith.muli %add3A, %mul3A_1 : i32
    %multiple_of3A = tpu.assume_multiple %mul3A_2, 8 : i32
    %dma_start3A = tpu.memref_slice %arg2[%multiple_of3A] : memref<204816xi32, #tpu.memory_space<hbm>> -> memref<6416xi32, #tpu.memory_space<hbm>>
    %dma_start3A_3 = tpu.memref_slice %arg2[%multiple_of3A] : memref<204816xi32, #tpu.memory_space<hbm>> -> memref<6416xi32, #tpu.memory_space<hbm>>
    tpu.enqueue_dma source(%dma_start3A_3 : memref<6416xi32, #tpu.memory_space<hbm>>) target(%arg6 : memref<6416xi32, #tpu.memory_space<vmem>>) target_semaphore(%arg11 : memref<!tpu.dma_semaphore, #tpu.memory_space<semaphore_mem>>)
    %dma_start3A_4 = tpu.memref_slice %arg3[%multiple_of3A] : memref<204816xf32, #tpu.memory_space<hbm>> -> memref<6416xf32, #tpu.memory_space<hbm>>
    %dma_start3A_5 = tpu.memref_slice %arg3[%multiple_of3A] : memref<204816xf32, #tpu.memory_space<hbm>> -> memref<6416xf32, #tpu.memory_space<hbm>>
    tpu.enqueue_dma source(%dma_start3A_5 : memref<6416xf32, #tpu.memory_space<hbm>>) target(%arg7 : memref<6416xf32, #tpu.memory_space<vmem>>) target_semaphore(%arg11 : memref<!tpu.dma_semaphore, #tpu.memory_space<semaphore_mem>>)
    %dma_wait3A = tpu.memref_slice %arg2[%multiple_of3A] : memref<204816xi32, #tpu.memory_space<hbm>> -> memref<6416xi32, #tpu.memory_space<hbm>>
    %dma_wait3A_6 = tpu.memref_slice %arg2[%multiple_of3A] : memref<204816xi32, #tpu.memory_space<hbm>> -> memref<6416xi32, #tpu.memory_space<hbm>>
    tpu.wait_dma2 semaphore(%arg11 : memref<!tpu.dma_semaphore, #tpu.memory_space<semaphore_mem>>) src(%dma_wait3A_6 : memref<6416xi32, #tpu.memory_space<hbm>>) dst(%arg6 : memref<6416xi32, #tpu.memory_space<vmem>>)
    %dma_wait3A_7 = tpu.memref_slice %arg3[%multiple_of3A] : memref<204816xf32, #tpu.memory_space<hbm>> -> memref<6416xf32, #tpu.memory_space<hbm>>
    %dma_wait3A_8 = tpu.memref_slice %arg3[%multiple_of3A] : memref<204816xf32, #tpu.memory_space<hbm>> -> memref<6416xf32, #tpu.memory_space<hbm>>
    tpu.wait_dma2 semaphore(%arg11 : memref<!tpu.dma_semaphore, #tpu.memory_space<semaphore_mem>>) src(%dma_wait3A_8 : memref<6416xf32, #tpu.memory_space<hbm>>) dst(%arg7 : memref<6416xf32, #tpu.memory_space<vmem>>)
    %scan3A = arith.constant 0 : i32
    %scan3A_9 = arith.constant 0 : i32
    %scan3A_10 = arith.constant 401 : i32
    %scan3A_11 = arith.addi %scan3A_9, %scan3A_10 : i32
    %scan3A_12 = arith.constant 1 : i32
    %scan3A_13 = scf.for %scan3A_43 = %scan3A_9 to %scan3A_11 step %scan3A_12 iter_args(%scan3A_44 = %scan3A) -> (i32)  : i32 {
      %mul3A_45 = arith.constant 16 : i32
      %mul3A_46 = arith.muli %scan3A_43, %mul3A_45 : i32
      %multiple_of3A_47 = tpu.assume_multiple %mul3A_46, 16 : i32
      %get3A = arith.index_cast %multiple_of3A_47 : i32 to index
      %get3A_48 = tpu.vector_load %arg6[%get3A] {strides = array<i32>} : memref<6416xi32, #tpu.memory_space<vmem>>, vector<16xi32>,
      %get3A_49 = arith.index_cast %multiple_of3A_47 : i32 to index
      %get3A_50 = tpu.vector_load %arg7[%get3A_49] {strides = array<i32>} : memref<6416xf32, #tpu.memory_space<vmem>>, vector<16xf32>,
      %add3A_51 = arith.constant 1 : i32
      %add3A_52 = arith.addi %multiple_of3A_47, %add3A_51 : i32
      %add3A_53 = vector.broadcast %add3A_52 : i32 to vector<16xi32>
      %add3A_54 = arith.addi %add3A_53, %iota3A : vector<16xi32>
      %gather3A = tpu.vector_load_idx %arg6[%add3A_54] : memref<6416xi32, #tpu.memory_space<vmem>>[vector<16xi32>], vector<16xi32>,
      %gather3A_55 = tpu.vector_load_idx %arg7[%add3A_54] : memref<6416xf32, #tpu.memory_space<vmem>>[vector<16xi32>], vector<16xf32>,
      %eq3A = arith.cmpi eq, %gather3A, %get3A_48 : vector<16xi32>
      %select_n3A = arith.select %eq3A, %gather3A_55, %get3A_50 : vector<16xi1>, vector<16xf32>
      %swap3A = arith.index_cast %multiple_of3A_47 : i32 to index
      %swap3A_56 = tpu.vector_load %arg8[%swap3A] {strides = array<i32>} : memref<6416xf32, #tpu.memory_space<vmem>>, vector<16xf32>,
      tpu.vector_store %arg8[%swap3A], %select_n3A {strides = array<i32>} : memref<6416xf32, #tpu.memory_space<vmem>>, vector<16xf32>,
      %scan3A_57 = arith.constant 0 : i32
      scf.yield %scan3A_57 : i32
    }
    %scan3A_14 = arith.constant 401 : i32
    %scan3A_15 = arith.constant 0 : i32
    %scan3A_16 = arith.constant 0 : i32
    %scan3A_17 = arith.constant 401 : i32
    %scan3A_18 = arith.addi %scan3A_16, %scan3A_17 : i32
    %scan3A_19 = arith.constant 1 : i32
    %scan3A_20 = scf.for %scan3A_43 = %scan3A_16 to %scan3A_18 step %scan3A_19 iter_args(%scan3A_44 = %scan3A_15) -> (i32)  : i32 {
      %mul3A_45 = arith.constant 16 : i32
      %mul3A_46 = arith.muli %scan3A_43, %mul3A_45 : i32
      %multiple_of3A_47 = tpu.assume_multiple %mul3A_46, 16 : i32
      %get3A = arith.index_cast %multiple_of3A_47 : i32 to index
      %get3A_48 = tpu.vector_load %arg6[%get3A] {strides = array<i32>} : memref<6416xi32, #tpu.memory_space<vmem>>, vector<16xi32>,
      %get3A_49 = arith.index_cast %multiple_of3A_47 : i32 to index
      %get3A_50 = tpu.vector_load %arg8[%get3A_49] {strides = array<i32>} : memref<6416xf32, #tpu.memory_space<vmem>>, vector<16xf32>,
      %add3A_51 = arith.constant 1 : i32
      %add3A_52 = arith.addi %multiple_of3A_47, %add3A_51 : i32
      %add3A_53 = vector.broadcast %add3A_52 : i32 to vector<16xi32>
      %add3A_54 = arith.addi %add3A_53, %iota3A : vector<16xi32>
      %gather3A = tpu.vector_load_idx %arg6[%add3A_54] : memref<6416xi32, #tpu.memory_space<vmem>>[vector<16xi32>], vector<16xi32>,
      %gather3A_55 = tpu.vector_load_idx %arg8[%add3A_54] : memref<6416xf32, #tpu.memory_space<vmem>>[vector<16xi32>], vector<16xf32>,
      %eq3A = arith.cmpi eq, %gather3A, %get3A_48 : vector<16xi32>
      %select_n3A = arith.select %eq3A, %gather3A_55, %get3A_50 : vector<16xi1>, vector<16xf32>
      %swap3A = arith.index_cast %multiple_of3A_47 : i32 to index
      %swap3A_56 = tpu.vector_load %arg7[%swap3A] {strides = array<i32>} : memref<6416xf32, #tpu.memory_space<vmem>>, vector<16xf32>,
      tpu.vector_store %arg7[%swap3A], %select_n3A {strides = array<i32>} : memref<6416xf32, #tpu.memory_space<vmem>>, vector<16xf32>,
      %scan3A_57 = arith.constant 0 : i32
      scf.yield %scan3A_57 : i32
    }
    %scan3A_21 = arith.constant 401 : i32
    %scan3A_22 = arith.constant 0 : i32
    %scan3A_23 = arith.constant 0 : i32
    %scan3A_24 = arith.constant 50 : i32
    %scan3A_25 = arith.addi %scan3A_23, %scan3A_24 : i32
    %scan3A_26 = arith.constant 1 : i32
    %scan3A_27 = scf.for %scan3A_43 = %scan3A_23 to %scan3A_25 step %scan3A_26 iter_args(%scan3A_44 = %scan3A_22) -> (i32)  : i32 {
      %mul3A_45 = arith.constant 128 : i32
      %mul3A_46 = arith.muli %scan3A_43, %mul3A_45 : i32
      %multiple_of3A_47 = tpu.assume_multiple %mul3A_46, 128 : i32
      %add3A_48 = arith.constant 0 : i32
      %add3A_49 = arith.addi %multiple_of3A_47, %add3A_48 : i32
      %get3A = arith.index_cast %add3A_49 : i32 to index
      %get3A_50 = tpu.vector_load %arg6[%get3A] {strides = array<i32>} : memref<6416xi32, #tpu.memory_space<vmem>>, vector<16xi32>,
      %swap3A = arith.index_cast %scan3A_43 : i32 to index
      %swap3A_51 = arith.constant 0 : index
      %swap3A_52 = tpu.vector_load %arg9[%swap3A, %swap3A_51] {strides = array<i32>} : memref<50x128xi32, #tpu.memory_space<vmem>>, vector<16xi32>,
      tpu.vector_store %arg9[%swap3A, %swap3A_51], %get3A_50 {strides = array<i32>} : memref<50x128xi32, #tpu.memory_space<vmem>>, vector<16xi32>,
      %get3A_53 = arith.index_cast %add3A_49 : i32 to index
      %get3A_54 = tpu.vector_load %arg7[%get3A_53] {strides = array<i32>} : memref<6416xf32, #tpu.memory_space<vmem>>, vector<16xf32>,
      %swap3A_55 = arith.index_cast %scan3A_43 : i32 to index
      %swap3A_56 = arith.constant 0 : index
      %swap3A_57 = tpu.vector_load %arg10[%swap3A_55, %swap3A_56] {strides = array<i32>} : memref<50x128xf32, #tpu.memory_space<vmem>>, vector<16xf32>,
      tpu.vector_store %arg10[%swap3A_55, %swap3A_56], %get3A_54 {strides = array<i32>} : memref<50x128xf32, #tpu.memory_space<vmem>>, vector<16xf32>,
      %add3A_58 = arith.constant 16 : i32
      %add3A_59 = arith.addi %multiple_of3A_47, %add3A_58 : i32
      %get3A_60 = arith.index_cast %add3A_59 : i32 to index
      %get3A_61 = tpu.vector_load %arg6[%get3A_60] {strides = array<i32>} : memref<6416xi32, #tpu.memory_space<vmem>>, vector<16xi32>,
      %swap3A_62 = arith.index_cast %scan3A_43 : i32 to index
      %swap3A_63 = arith.constant 16 : index
      %swap3A_64 = tpu.vector_load %arg9[%swap3A_62, %swap3A_63] {strides = array<i32>} : memref<50x128xi32, #tpu.memory_space<vmem>>, vector<16xi32>,
      tpu.vector_store %arg9[%swap3A_62, %swap3A_63], %get3A_61 {strides = array<i32>} : memref<50x128xi32, #tpu.memory_space<vmem>>, vector<16xi32>,
      %get3A_65 = arith.index_cast %add3A_59 : i32 to index
      %get3A_66 = tpu.vector_load %arg7[%get3A_65] {strides = array<i32>} : memref<6416xf32, #tpu.memory_space<vmem>>, vector<16xf32>,
      %swap3A_67 = arith.index_cast %scan3A_43 : i32 to index
      %swap3A_68 = arith.constant 16 : index
      %swap3A_69 = tpu.vector_load %arg10[%swap3A_67, %swap3A_68] {strides = array<i32>} : memref<50x128xf32, #tpu.memory_space<vmem>>, vector<16xf32>,
      tpu.vector_store %arg10[%swap3A_67, %swap3A_68], %get3A_66 {strides = array<i32>} : memref<50x128xf32, #tpu.memory_space<vmem>>, vector<16xf32>,
      %add3A_70 = arith.constant 32 : i32
      %add3A_71 = arith.addi %multiple_of3A_47, %add3A_70 : i32
      %get3A_72 = arith.index_cast %add3A_71 : i32 to index
      %get3A_73 = tpu.vector_load %arg6[%get3A_72] {strides = array<i32>} : memref<6416xi32, #tpu.memory_space<vmem>>, vector<16xi32>,
      %swap3A_74 = arith.index_cast %scan3A_43 : i32 to index
      %swap3A_75 = arith.constant 32 : index
      %swap3A_76 = tpu.vector_load %arg9[%swap3A_74, %swap3A_75] {strides = array<i32>} : memref<50x128xi32, #tpu.memory_space<vmem>>, vector<16xi32>,
      tpu.vector_store %arg9[%swap3A_74, %swap3A_75], %get3A_73 {strides = array<i32>} : memref<50x128xi32, #tpu.memory_space<vmem>>, vector<16xi32>,
      %get3A_77 = arith.index_cast %add3A_71 : i32 to index
      %get3A_78 = tpu.vector_load %arg7[%get3A_77] {strides = array<i32>} : memref<6416xf32, #tpu.memory_space<vmem>>, vector<16xf32>,
      %swap3A_79 = arith.index_cast %scan3A_43 : i32 to index
      %swap3A_80 = arith.constant 32 : index
      %swap3A_81 = tpu.vector_load %arg10[%swap3A_79, %swap3A_80] {strides = array<i32>} : memref<50x128xf32, #tpu.memory_space<vmem>>, vector<16xf32>,
      tpu.vector_store %arg10[%swap3A_79, %swap3A_80], %get3A_78 {strides = array<i32>} : memref<50x128xf32, #tpu.memory_space<vmem>>, vector<16xf32>,
      %add3A_82 = arith.constant 48 : i32
      %add3A_83 = arith.addi %multiple_of3A_47, %add3A_82 : i32
      %get3A_84 = arith.index_cast %add3A_83 : i32 to index
      %get3A_85 = tpu.vector_load %arg6[%get3A_84] {strides = array<i32>} : memref<6416xi32, #tpu.memory_space<vmem>>, vector<16xi32>,
      %swap3A_86 = arith.index_cast %scan3A_43 : i32 to index
      %swap3A_87 = arith.constant 48 : index
      %swap3A_88 = tpu.vector_load %arg9[%swap3A_86, %swap3A_87] {strides = array<i32>} : memref<50x128xi32, #tpu.memory_space<vmem>>, vector<16xi32>,
      tpu.vector_store %arg9[%swap3A_86, %swap3A_87], %get3A_85 {strides = array<i32>} : memref<50x128xi32, #tpu.memory_space<vmem>>, vector<16xi32>,
      %get3A_89 = arith.index_cast %add3A_83 : i32 to index
      %get3A_90 = tpu.vector_load %arg7[%get3A_89] {strides = array<i32>} : memref<6416xf32, #tpu.memory_space<vmem>>, vector<16xf32>,
      %swap3A_91 = arith.index_cast %scan3A_43 : i32 to index
      %swap3A_92 = arith.constant 48 : index
      %swap3A_93 = tpu.vector_load %arg10[%swap3A_91, %swap3A_92] {strides = array<i32>} : memref<50x128xf32, #tpu.memory_space<vmem>>, vector<16xf32>,
      tpu.vector_store %arg10[%swap3A_91, %swap3A_92], %get3A_90 {strides = array<i32>} : memref<50x128xf32, #tpu.memory_space<vmem>>, vector<16xf32>,
      %add3A_94 = arith.constant 64 : i32
      %add3A_95 = arith.addi %multiple_of3A_47, %add3A_94 : i32
      %get3A_96 = arith.index_cast %add3A_95 : i32 to index
      %get3A_97 = tpu.vector_load %arg6[%get3A_96] {strides = array<i32>} : memref<6416xi32, #tpu.memory_space<vmem>>, vector<16xi32>,
      %swap3A_98 = arith.index_cast %scan3A_43 : i32 to index
      %swap3A_99 = arith.constant 64 : index
      %swap3A_100 = tpu.vector_load %arg9[%swap3A_98, %swap3A_99] {strides = array<i32>} : memref<50x128xi32, #tpu.memory_space<vmem>>, vector<16xi32>,
      tpu.vector_store %arg9[%swap3A_98, %swap3A_99], %get3A_97 {strides = array<i32>} : memref<50x128xi32, #tpu.memory_space<vmem>>, vector<16xi32>,
      %get3A_101 = arith.index_cast %add3A_95 : i32 to index
      %get3A_102 = tpu.vector_load %arg7[%get3A_101] {strides = array<i32>} : memref<6416xf32, #tpu.memory_space<vmem>>, vector<16xf32>,
      %swap3A_103 = arith.index_cast %scan3A_43 : i32 to index
      %swap3A_104 = arith.constant 64 : index
      %swap3A_105 = tpu.vector_load %arg10[%swap3A_103, %swap3A_104] {strides = array<i32>} : memref<50x128xf32, #tpu.memory_space<vmem>>, vector<16xf32>,
      tpu.vector_store %arg10[%swap3A_103, %swap3A_104], %get3A_102 {strides = array<i32>} : memref<50x128xf32, #tpu.memory_space<vmem>>, vector<16xf32>,
      %add3A_106 = arith.constant 80 : i32
      %add3A_107 = arith.addi %multiple_of3A_47, %add3A_106 : i32
      %get3A_108 = arith.index_cast %add3A_107 : i32 to index
      %get3A_109 = tpu.vector_load %arg6[%get3A_108] {strides = array<i32>} : memref<6416xi32, #tpu.memory_space<vmem>>, vector<16xi32>,
      %swap3A_110 = arith.index_cast %scan3A_43 : i32 to index
      %swap3A_111 = arith.constant 80 : index
      %swap3A_112 = tpu.vector_load %arg9[%swap3A_110, %swap3A_111] {strides = array<i32>} : memref<50x128xi32, #tpu.memory_space<vmem>>, vector<16xi32>,
      tpu.vector_store %arg9[%swap3A_110, %swap3A_111], %get3A_109 {strides = array<i32>} : memref<50x128xi32, #tpu.memory_space<vmem>>, vector<16xi32>,
      %get3A_113 = arith.index_cast %add3A_107 : i32 to index
      %get3A_114 = tpu.vector_load %arg7[%get3A_113] {strides = array<i32>} : memref<6416xf32, #tpu.memory_space<vmem>>, vector<16xf32>,
      %swap3A_115 = arith.index_cast %scan3A_43 : i32 to index
      %swap3A_116 = arith.constant 80 : index
      %swap3A_117 = tpu.vector_load %arg10[%swap3A_115, %swap3A_116] {strides = array<i32>} : memref<50x128xf32, #tpu.memory_space<vmem>>, vector<16xf32>,
      tpu.vector_store %arg10[%swap3A_115, %swap3A_116], %get3A_114 {strides = array<i32>} : memref<50x128xf32, #tpu.memory_space<vmem>>, vector<16xf32>,
      %add3A_118 = arith.constant 96 : i32
      %add3A_119 = arith.addi %multiple_of3A_47, %add3A_118 : i32
      %get3A_120 = arith.index_cast %add3A_119 : i32 to index
      %get3A_121 = tpu.vector_load %arg6[%get3A_120] {strides = array<i32>} : memref<6416xi32, #tpu.memory_space<vmem>>, vector<16xi32>,
      %swap3A_122 = arith.index_cast %scan3A_43 : i32 to index
      %swap3A_123 = arith.constant 96 : index
      %swap3A_124 = tpu.vector_load %arg9[%swap3A_122, %swap3A_123] {strides = array<i32>} : memref<50x128xi32, #tpu.memory_space<vmem>>, vector<16xi32>,
      tpu.vector_store %arg9[%swap3A_122, %swap3A_123], %get3A_121 {strides = array<i32>} : memref<50x128xi32, #tpu.memory_space<vmem>>, vector<16xi32>,
      %get3A_125 = arith.index_cast %add3A_119 : i32 to index
      %get3A_126 = tpu.vector_load %arg7[%get3A_125] {strides = array<i32>} : memref<6416xf32, #tpu.memory_space<vmem>>, vector<16xf32>,
      %swap3A_127 = arith.index_cast %scan3A_43 : i32 to index
      %swap3A_128 = arith.constant 96 : index
      %swap3A_129 = tpu.vector_load %arg10[%swap3A_127, %swap3A_128] {strides = array<i32>} : memref<50x128xf32, #tpu.memory_space<vmem>>, vector<16xf32>,
      tpu.vector_store %arg10[%swap3A_127, %swap3A_128], %get3A_126 {strides = array<i32>} : memref<50x128xf32, #tpu.memory_space<vmem>>, vector<16xf32>,
      %add3A_130 = arith.constant 112 : i32
      %add3A_131 = arith.addi %multiple_of3A_47, %add3A_130 : i32
      %get3A_132 = arith.index_cast %add3A_131 : i32 to index
      %get3A_133 = tpu.vector_load %arg6[%get3A_132] {strides = array<i32>} : memref<6416xi32, #tpu.memory_space<vmem>>, vector<16xi32>,
      %swap3A_134 = arith.index_cast %scan3A_43 : i32 to index
      %swap3A_135 = arith.constant 112 : index
      %swap3A_136 = tpu.vector_load %arg9[%swap3A_134, %swap3A_135] {strides = array<i32>} : memref<50x128xi32, #tpu.memory_space<vmem>>, vector<16xi32>,
      tpu.vector_store %arg9[%swap3A_134, %swap3A_135], %get3A_133 {strides = array<i32>} : memref<50x128xi32, #tpu.memory_space<vmem>>, vector<16xi32>,
      %get3A_137 = arith.index_cast %add3A_131 : i32 to index
      %get3A_138 = tpu.vector_load %arg7[%get3A_137] {strides = array<i32>} : memref<6416xf32, #tpu.memory_space<vmem>>, vector<16xf32>,
      %swap3A_139 = arith.index_cast %scan3A_43 : i32 to index
      %swap3A_140 = arith.constant 112 : index
      %swap3A_141 = tpu.vector_load %arg10[%swap3A_139, %swap3A_140] {strides = array<i32>} : memref<50x128xf32, #tpu.memory_space<vmem>>, vector<16xf32>,
      tpu.vector_store %arg10[%swap3A_139, %swap3A_140], %get3A_138 {strides = array<i32>} : memref<50x128xf32, #tpu.memory_space<vmem>>, vector<16xf32>,
      %scan3A_142 = arith.constant 0 : i32
      scf.yield %scan3A_142 : i32
    }
    %scan3A_28 = arith.constant 50 : i32
    %scan3A_29 = arith.constant 0 : i32
    %scan3A_30 = arith.constant 0 : i32
    %scan3A_31 = arith.constant 50 : i32
    %scan3A_32 = arith.addi %scan3A_30, %scan3A_31 : i32
    %scan3A_33 = arith.constant 1 : i32
    %scan3A_34 = scf.for %scan3A_43 = %scan3A_30 to %scan3A_32 step %scan3A_33 iter_args(%scan3A_44 = %scan3A_29) -> (i32)  : i32 {
      %dma_start3A_45 = arith.constant 0 : i32
      %dma_start3A_46 = tpu.memref_slice %arg10[%scan3A_43, %dma_start3A_45] : memref<50x128xf32, #tpu.memory_space<vmem>> -> memref<1x128xf32, #tpu.memory_space<vmem>>
      %dma_start3A_47 = tpu.memref_squeeze %dma_start3A_46 : memref<1x128xf32, #tpu.memory_space<vmem>> -> memref<128xf32, #tpu.memory_space<vmem>>
      %dma_start3A_48 = arith.constant 0 : i32
      %dma_start3A_49 = tpu.memref_slice %arg9[%scan3A_43, %dma_start3A_48] : memref<50x128xi32, #tpu.memory_space<vmem>> -> memref<1x128xi32, #tpu.memory_space<vmem>>
      %dma_start3A_50 = tpu.memref_squeeze %dma_start3A_49 : memref<1x128xi32, #tpu.memory_space<vmem>> -> memref<128xi32, #tpu.memory_space<vmem>>
      %dma_start3A_51 = arith.constant 0 : i32
      %dma_start3A_52 = tpu.memref_slice %arg4[%dma_start3A_51] : memref<102400000xf32, #tpu.memory_space<hbm>> -> memref<102400000xf32, #tpu.memory_space<hbm>>
      tpu.enqueue_indirect_dma source(%dma_start3A_47 : memref<128xf32, #tpu.memory_space<vmem>>) target(%dma_start3A_52 : memref<102400000xf32, #tpu.memory_space<hbm>>) offsets(%dma_start3A_50 : memref<128xi32, #tpu.memory_space<vmem>>) semaphore(%arg12 : memref<!tpu.dma_semaphore, #tpu.memory_space<semaphore_mem>>)
      %scan3A_53 = arith.constant 0 : i32
      scf.yield %scan3A_53 : i32
    }
    %scan3A_35 = arith.constant 50 : i32
    %scan3A_36 = arith.constant 0 : i32
    %scan3A_37 = arith.constant 0 : i32
    %scan3A_38 = arith.constant 50 : i32
    %scan3A_39 = arith.addi %scan3A_37, %scan3A_38 : i32
    %scan3A_40 = arith.constant 1 : i32
    %scan3A_41 = scf.for %scan3A_43 = %scan3A_37 to %scan3A_39 step %scan3A_40 iter_args(%scan3A_44 = %scan3A_36) -> (i32)  : i32 {
      %dma_wait3A_45 = arith.constant 0 : i32
      %dma_wait3A_46 = tpu.memref_slice %arg10[%scan3A_43, %dma_wait3A_45] : memref<50x128xf32, #tpu.memory_space<vmem>> -> memref<1x128xf32, #tpu.memory_space<vmem>>
      %dma_wait3A_47 = tpu.memref_squeeze %dma_wait3A_46 : memref<1x128xf32, #tpu.memory_space<vmem>> -> memref<128xf32, #tpu.memory_space<vmem>>
      %dma_wait3A_48 = arith.constant 0 : i32
      %dma_wait3A_49 = tpu.memref_slice %arg9[%scan3A_43, %dma_wait3A_48] : memref<50x128xi32, #tpu.memory_space<vmem>> -> memref<1x128xi32, #tpu.memory_space<vmem>>
      %dma_wait3A_50 = tpu.memref_squeeze %dma_wait3A_49 : memref<1x128xi32, #tpu.memory_space<vmem>> -> memref<128xi32, #tpu.memory_space<vmem>>
      %dma_wait3A_51 = arith.constant 0 : i32
      %dma_wait3A_52 = tpu.memref_slice %arg4[%dma_wait3A_51] : memref<102400000xf32, #tpu.memory_space<hbm>> -> memref<102400000xf32, #tpu.memory_space<hbm>>
      tpu.wait_indirect_dma semaphore(%arg12 : memref<!tpu.dma_semaphore, #tpu.memory_space<semaphore_mem>>) src(%dma_wait3A_47 : memref<128xf32, #tpu.memory_space<vmem>>) dst(%dma_wait3A_52 : memref<102400000xf32, #tpu.memory_space<hbm>>)
      %scan3A_53 = arith.constant 0 : i32
      scf.yield %scan3A_53 : i32
    }
    %scan3A_42 = arith.constant 50 : i32
    return
  }
}

#map = affine_map<(d0, d1) -> (0)>
module attributes {stable_mosaic.version = 14 : i64} {
  func.func @sc_zero(%arg0: i32, %arg1: i32, %arg2: memref<102400000xf32, #tpu.memory_space<hbm>>, %arg3: memref<40000xf32, #tpu.memory_space<vmem>>, %arg4: memref<!tpu.dma_semaphore, #tpu.memory_space<semaphore_mem>>) attributes {dimension_semantics = [#tpu.dimension_semantics<core_parallel>, #tpu.dimension_semantics<subcore_parallel>], iteration_bounds = array<i64: 2, 16>, scalar_prefetch = 0 : i64, scratch_operands = 2 : i64, tpu.core_type = #tpu.core_type<sc_vector_subcore>, window_params = [{transform_indices = #map}]} {
    %mul3A = arith.constant 2 : i32
    %mul3A_0 = arith.muli %arg1, %mul3A : i32
    %add3A = arith.addi %mul3A_0, %arg0 : i32
    %mul3A_1 = arith.constant 3200000 : i32
    %mul3A_2 = arith.muli %add3A, %mul3A_1 : i32
    %scan3A = arith.constant 0 : i32
    %scan3A_3 = arith.constant 0 : i32
    %scan3A_4 = arith.constant 2500 : i32
    %scan3A_5 = arith.addi %scan3A_3, %scan3A_4 : i32
    %scan3A_6 = arith.constant 1 : i32
    %scan3A_7 = scf.for %scan3A_23 = %scan3A_3 to %scan3A_5 step %scan3A_6 iter_args(%scan3A_24 = %scan3A) -> (i32)  : i32 {
      %broadcast_in_dim3A = arith.constant 0.000000e+00 : f32
      %broadcast_in_dim3A_25 = vector.broadcast %broadcast_in_dim3A : f32 to vector<16xf32>
      %mul3A_26 = arith.constant 16 : i32
      %mul3A_27 = arith.muli %scan3A_23, %mul3A_26 : i32
      %multiple_of3A = tpu.assume_multiple %mul3A_27, 16 : i32
      %swap3A = arith.index_cast %multiple_of3A : i32 to index
      %swap3A_28 = tpu.vector_load %arg3[%swap3A] {strides = array<i32>} : memref<40000xf32, #tpu.memory_space<vmem>>, vector<16xf32>,
      tpu.vector_store %arg3[%swap3A], %broadcast_in_dim3A_25 {strides = array<i32>} : memref<40000xf32, #tpu.memory_space<vmem>>, vector<16xf32>,
      %scan3A_29 = arith.constant 0 : i32
      scf.yield %scan3A_29 : i32
    }
    %scan3A_8 = arith.constant 2500 : i32
    %scan3A_9 = arith.constant 0 : i32
    %scan3A_10 = arith.constant 0 : i32
    %scan3A_11 = arith.constant 80 : i32
    %scan3A_12 = arith.addi %scan3A_10, %scan3A_11 : i32
    %scan3A_13 = arith.constant 1 : i32
    %scan3A_14 = scf.for %scan3A_23 = %scan3A_10 to %scan3A_12 step %scan3A_13 iter_args(%scan3A_24 = %scan3A_9) -> (i32)  : i32 {
      %mul3A_25 = arith.constant 40000 : i32
      %mul3A_26 = arith.muli %scan3A_23, %mul3A_25 : i32
      %add3A_27 = arith.addi %mul3A_2, %mul3A_26 : i32
      %dma_start3A = tpu.memref_slice %arg2[%add3A_27] : memref<102400000xf32, #tpu.memory_space<hbm>> -> memref<40000xf32, #tpu.memory_space<hbm>>
      %dma_start3A_28 = tpu.memref_slice %arg2[%add3A_27] : memref<102400000xf32, #tpu.memory_space<hbm>> -> memref<40000xf32, #tpu.memory_space<hbm>>
      tpu.enqueue_dma source(%arg3 : memref<40000xf32, #tpu.memory_space<vmem>>) target(%dma_start3A_28 : memref<40000xf32, #tpu.memory_space<hbm>>) target_semaphore(%arg4 : memref<!tpu.dma_semaphore, #tpu.memory_space<semaphore_mem>>)
      %scan3A_29 = arith.constant 0 : i32
      scf.yield %scan3A_29 : i32
    }
    %scan3A_15 = arith.constant 80 : i32
    %scan3A_16 = arith.constant 0 : i32
    %scan3A_17 = arith.constant 0 : i32
    %scan3A_18 = arith.constant 80 : i32
    %scan3A_19 = arith.addi %scan3A_17, %scan3A_18 : i32
    %scan3A_20 = arith.constant 1 : i32
    %scan3A_21 = scf.for %scan3A_23 = %scan3A_17 to %scan3A_19 step %scan3A_20 iter_args(%scan3A_24 = %scan3A_16) -> (i32)  : i32 {
      %mul3A_25 = arith.constant 40000 : i32
      %mul3A_26 = arith.muli %scan3A_23, %mul3A_25 : i32
      %add3A_27 = arith.addi %mul3A_2, %mul3A_26 : i32
      %dma_wait3A = tpu.memref_slice %arg2[%add3A_27] : memref<102400000xf32, #tpu.memory_space<hbm>> -> memref<40000xf32, #tpu.memory_space<hbm>>
      %dma_wait3A_28 = tpu.memref_slice %arg2[%add3A_27] : memref<102400000xf32, #tpu.memory_space<hbm>> -> memref<40000xf32, #tpu.memory_space<hbm>>
      tpu.wait_dma2 semaphore(%arg4 : memref<!tpu.dma_semaphore, #tpu.memory_space<semaphore_mem>>) src(%arg3 : memref<40000xf32, #tpu.memory_space<vmem>>) dst(%dma_wait3A_28 : memref<40000xf32, #tpu.memory_space<hbm>>)
      %scan3A_29 = arith.constant 0 : i32
      scf.yield %scan3A_29 : i32
    }
    %scan3A_22 = arith.constant 80 : i32
    return
  }
}

module attributes {stable_mosaic.version = 14 : i64} {
  func.func @_softmax_body(%arg0: i32, %arg1: memref<64x64x200xf32, #tpu.memory_space<vmem>>, %arg2: memref<64x200xf32, #tpu.memory_space<vmem>>) attributes {dimension_semantics = [#tpu.dimension_semantics<arbitrary>], iteration_bounds = array<i64: 16>, scalar_prefetch = 0 : i64, scratch_operands = 0 : i64, tpu.core_type = #tpu.core_type<tc>, window_params = [{transform_indices = @transform_0, window_bounds = array<i64: 64, 64, 200>}, {transform_indices = @transform_1, window_bounds = array<i64: 64, 200>}]} {
    %get3A = arith.constant 0 : index
    %get3A_0 = arith.constant 0 : index
    %get3A_1 = arith.constant 0 : index
    %get3A_2 = vector.load %arg1[%get3A, %get3A_0, %get3A_1] : memref<64x64x200xf32, #tpu.memory_space<vmem>>, vector<64x64x200xf32>
    %mul3A = arith.mulf %get3A_2, %get3A_2 : vector<64x64x200xf32>
    %reduce_sum3A = arith.constant dense<0.000000e+00> : vector<64x200xf32>
    %reduce_sum3A_3 = vector.multi_reduction <add>, %mul3A, %reduce_sum3A [0] : vector<64x64x200xf32> to vector<64x200xf32>
    %sqrt3A = math.sqrt %reduce_sum3A_3 : vector<64x200xf32>
    %reduce_max3A = arith.constant dense<0xFF800000> : vector<64xf32>
    %reduce_max3A_4 = vector.multi_reduction <maximumf>, %sqrt3A, %reduce_max3A [1] : vector<64x200xf32> to vector<64xf32>
    %broadcast_in_dim3A = vector.shape_cast %reduce_max3A_4 : vector<64xf32> to vector<64x1xf32>
    %sub3A = vector.broadcast %broadcast_in_dim3A : vector<64x1xf32> to vector<64x200xf32>
    %sub3A_5 = arith.subf %sqrt3A, %sub3A : vector<64x200xf32>
    %exp3A = math.exp %sub3A_5 : vector<64x200xf32>
    %reduce_sum3A_6 = arith.constant dense<0.000000e+00> : vector<64xf32>
    %reduce_sum3A_7 = vector.multi_reduction <add>, %exp3A, %reduce_sum3A_6 [1] : vector<64x200xf32> to vector<64xf32>
    %broadcast_in_dim3A_8 = vector.shape_cast %reduce_sum3A_7 : vector<64xf32> to vector<64x1xf32>
    %div3A = vector.broadcast %broadcast_in_dim3A_8 : vector<64x1xf32> to vector<64x200xf32>
    %div3A_9 = arith.divf %exp3A, %div3A : vector<64x200xf32>
    %swap3A = arith.constant 0 : index
    %swap3A_10 = arith.constant 0 : index
    %swap3A_11 = vector.load %arg2[%swap3A, %swap3A_10] : memref<64x200xf32, #tpu.memory_space<vmem>>, vector<64x200xf32>
    tpu.vector_store %arg2[%swap3A, %swap3A_10], %div3A_9 {strides = array<i32>} : memref<64x200xf32, #tpu.memory_space<vmem>>, vector<64x200xf32>,
    return
  }
  func.func @transform_0(%arg0: i32) -> (i32, i32, i32) {
    %c0_i32 = arith.constant 0 : i32
    %c0_i32_0 = arith.constant 0 : i32
    %c0_i32_1 = arith.constant 0 : i32
    return %c0_i32, %arg0, %c0_i32_0 : i32, i32, i32
  }
  func.func @transform_1(%arg0: i32) -> (i32, i32) {
    %c0_i32 = arith.constant 0 : i32
    %c0_i32_0 = arith.constant 0 : i32
    return %arg0, %c0_i32 : i32, i32
  }
}

</mosaic_0001>

<sc_bundles>
// kernel: kernel.5.cloned.1.call-start
scs
__scs_entry_jumppad:
0x0: {  	(pc) =	sbr.rel $0x88, $3  }
0x1: {  	(tag) =	ssettag $0x0;
	lr =	simm.s32 $0x1  }
0x2: {  	[smem:$0x3F9F] =	sst lr;
	_ =	strace $0xD0000000  }
0x3: {  	_ = 	snop  }
0x4: {  	_ = 	snop  }
0x5: {  	_ = 	snop  }
0x6: {  	_ = 	snop  }
0x7: {  	_ = 	snop  }
__scs_overlays_trampoline_lowered:
0x8: {  	[smem:$0x3FAE] =	sst s0  }
0x9: {  	[smem:$0x3FAF] =	sst s1  }
0xa: {  	[smem:$0x3FB0] =	sst s2  }
0xb: {  	[smem:$0x3FB1] =	sst s3  }
0xc: {  	[smem:$0x3FB2] =	sst s4  }
0xd: {  	[smem:$0x3FB3] =	sst s5  }
0xe: {  	[smem:$0x3FB4] =	sst s6  }
0xf: {  	[smem:$0x3FB5] =	sst s7  }
0x10: {  	[smem:$0x3FB6] =	sst s8  }
0x11: {  	[smem:$0x3FB7] =	sst s9;
	s0 =	simm.s32 @!p0 $0x0  }
0x12: {  	s1 =	sld [smem:$0x3F9D];
	s0 =	simm.s32 @p0 $0x1  }
0x13: {  	[smem:$0x3FB8] =	sst s0;
	s0 =	simm.s32 @!p1 $0x0  }
0x14: {  	s2 =	sld [smem:$0x3F9C];
	s0 =	simm.s32 @p1 $0x1  }
0x15: {  	[smem:$0x3FB9] =	sst s0;
	s0 =	simm.s32 @!p2 $0x0  }
0x16: {  	s3 =	sld [smem:$0x3FDB];
	s0 =	simm.s32 @p2 $0x1  }
0x17: {  	s4 =	simm.s32 $0x1BF5;
	[smem:$0x3FBB] =	sst s0  }
0x18: {  	s0 =	sld [smem:$0x3F9E];
	_ =	swait.ge [sflag:s4], $0x0  }
0x19: {  	s7 =	sld [smem:$0x3F9F]  }
0x1a: {  	s8 =	sadd.s32 $0xFFFFE003, lr  }
0x1b: {  	s9 =	sadd.s32 $0xFFFFFEF7, lr;
	s5 =	simm.s32 $0xFFFFFFFF;
	p2 =	slt.u32 s8, $0xFFFFF086  }
0x1c: {  	p1 =	slt.u32 s9, $0xF7A;
	s5 =	simm.s32 @!p2 $0x0  }
0x1d: {  	s5 =	simm.s32 @p1 $0x1;
	p0 =	seq.s32 s7, s2  }
0x1e: {  	s7 =	smul.u32 @!p0 $0xF7A, s2;
	p2 =	seq.s32 @!p0 s5, $0x0  }
0x1f: {  	s9 =	smul.u32 $0xF7A, s1;
	s8 =	simm.s32 @!p0 $0x1BF5;
	p2 =	por !p2, p0  }
0x20: {  	[sflag:s8] =	ssyncset.s32 @!p0 $0xFFFFF086;
	s6 =	sadd.s32 @!p0 s3, s7;
	s7 =	simm.s32 @!p0 $0x108  }
0x21: {  	s3 =	sadd.s32 s3, s9;
	s6 =	sadd.s32 @!p0 $0x88, s6;
	s7 =	simm.s32 @p2 $0x1082  }
0x22: {  	[simem:s7], [sflag:s8] =	dma.local @!p0 [hbm:s6], $0xF7A  }
0x23: {  	s9 =	sor.u32 $0xD0000000, s2;
	s6 =	simm.s32 $0x108;
	_ =	swait.ge @!p0 [sflag:s8], $0x0  }
0x24: {  	s3 =	sadd.s32 $0x88, s3;
	s6 =	simm.s32 @!p1 $0x1082;
	[sflag:s4] =	ssyncset.s32 $0xFFFFF086  }
0x25: {  	[simem:s6], [sflag:s4] =	dma.local [hbm:s3], $0xF7A  }
0x26: {  	[smem:$0x3F9F] =	sst s1;
	(tag) =	ssettag s2;
	_ =	strace s9  }
0x27: {  	s1 =	sld [smem:$0x3FAF]  }
0x28: {  	s2 =	sld [smem:$0x3FB0]  }
0x29: {  	s4 =	sld [smem:$0x3FB2]  }
0x2a: {  	p0 =	seq.s32 s5, $0x0;
	s5 =	sld [smem:$0x3FB3]  }
0x2b: {  	s6 =	sld [smem:$0x3FB4]  }
0x2c: {  	s7 =	sld [smem:$0x3FB5]  }
0x2d: {  	s3 =	simm.s32 $0x108;
	s8 =	sld [smem:$0x3FB6]  }
0x2e: {  	s3 =	simm.s32 @!p0 $0x1082;
	s9 =	sld [smem:$0x3FB7]  }
0x2f: {  	lr =	sadd.s32 s0, s3;
	s0 =	sld [smem:$0x3FAE]  }
0x30: {  	s3 =	sld [smem:$0x3FB1]  }
0x31: {  	[smem:$0x3FBA] =	sst s10  }
0x32: {  	s10 =	sld [smem:$0x3FB8];
	_ =	sdelay $0x3  }
0x33: {  	p0 =	seq.s32 s10, $0x1;
	s10 =	sld [smem:$0x3FBA];
	_ =	sdelay $0x3  }
0x34: {  	[smem:$0x3FBA] =	sst s10  }
0x35: {  	s10 =	sld [smem:$0x3FB9];
	_ =	sdelay $0x3  }
0x36: {  	p1 =	seq.s32 s10, $0x1;
	s10 =	sld [smem:$0x3FBA];
	_ =	sdelay $0x3  }
0x37: {  	[smem:$0x3FBA] =	sst s10  }
0x38: {  	s10 =	sld [smem:$0x3FBB]  }
0x39: {  	_ = 	snop;
	(pc) =	sbr.ind lr, $3  }
0x3a: {  	_ = 	snop  }
0x3b: {  	_ = 	snop  }
0x3c: {  	p2 =	seq.s32 s10, $0x1;
	s10 =	sld [smem:$0x3FBA]  }
0x3d: {  	_ =	shalt  }
0x3e: {  	_ =	shalt  }
0x3f: {  	_ =	shalt  }
0x40: {  	_ =	shalt  }
0x41: {  	_ =	shalt  }
0x42: {  	_ =	shalt  }
0x43: {  	_ =	shalt  }
0x44: {  	_ =	shalt  }
0x45: {  	_ =	shalt  }
0x46: {  	_ =	shalt  }
0x47: {  	_ =	shalt  }
0x48: {  	_ =	shalt  }
0x49: {  	_ =	shalt  }
0x4a: {  	_ =	shalt  }
0x4b: {  	_ =	shalt  }
0x4c: {  	_ =	shalt  }
0x4d: {  	_ =	shalt  }
0x4e: {  	_ =	shalt  }
0x4f: {  	_ =	shalt  }
0x50: {  	_ =	shalt  }
0x51: {  	_ =	shalt  }
0x52: {  	_ =	shalt  }
0x53: {  	_ =	shalt  }
0x54: {  	_ =	shalt  }
0x55: {  	_ =	shalt  }
0x56: {  	_ =	shalt  }
0x57: {  	_ =	shalt  }
0x58: {  	_ =	shalt  }
0x59: {  	_ =	shalt  }
0x5a: {  	_ =	shalt  }
0x5b: {  	_ =	shalt  }
0x5c: {  	_ =	shalt  }
0x5d: {  	_ =	shalt  }
0x5e: {  	_ =	shalt  }
0x5f: {  	_ =	shalt  }
0x60: {  	_ =	shalt  }
0x61: {  	_ =	shalt  }
0x62: {  	_ =	shalt  }
0x63: {  	_ =	shalt  }
0x64: {  	_ =	shalt  }
0x65: {  	_ =	shalt  }
0x66: {  	_ =	shalt  }
0x67: {  	_ =	shalt  }
0x68: {  	_ =	shalt  }
0x69: {  	_ =	shalt  }
0x6a: {  	_ =	shalt  }
0x6b: {  	_ =	shalt  }
0x6c: {  	_ =	shalt  }
0x6d: {  	_ =	shalt  }
0x6e: {  	_ =	shalt  }
0x6f: {  	_ =	shalt  }
0x70: {  	_ =	shalt  }
0x71: {  	_ =	shalt  }
0x72: {  	_ =	shalt  }
0x73: {  	_ =	shalt  }
0x74: {  	_ =	shalt  }
0x75: {  	_ =	shalt  }
0x76: {  	_ =	shalt  }
0x77: {  	_ =	shalt  }
0x78: {  	_ =	shalt  }
0x79: {  	_ =	shalt  }
0x7a: {  	_ =	shalt  }
0x7b: {  	_ =	shalt  }
0x7c: {  	_ =	shalt  }
0x7d: {  	_ =	shalt  }
0x7e: {  	_ =	shalt  }
0x7f: {  	_ =	shalt  }
0x80: {  	_ =	shalt  }
0x81: {  	_ =	shalt  }
0x82: {  	_ =	shalt  }
0x83: {  	_ =	shalt  }
0x84: {  	_ =	shalt  }
0x85: {  	_ =	shalt  }
0x86: {  	_ =	shalt  }
0x87: {  	_ =	shalt  }
.Lfunc_end0:
.L_simem_size_0:
called_computation_lowered:
.L_overlay_start_0:
0x88: {  	s2 =	sld [smem:$0x3FD9]  }
0x89: {  	s3 =	sld [smem:$0x3FFE];
	_ =	sdelay $0x1  }
0x8a: {  	s1 =	srdreg.scid  }
0x8b: {  	s0 =	sand.u32 $0x1, s1  }
0x8c: {  	s16 =	sshll.u32 s0, $0xA;
	s2 =	sadd.s32 s3, s2  }
0x8d: {  	s2 =	sadd.s32 s2, s16  }
0x8e: {  	[smem:$0x3FC6] =	sst s2  }
0x8f: {  	_ = 	snop  }
0x90: {  	(tm) =	ssettm $0x1  }
0x91: {  	s17 =	sld [smem:$0x3FFB];
	_ =	sdelay $0x3  }
0x92: {  	_ =	strace s17  }
0x93: {  	s2 =	sld [smem:$0x3FFC];
	_ =	sdelay $0x3  }
0x94: {  	_ =	strace s2  }
0x95: {  	s2 =	sld [smem:$0x3FFD];
	_ =	sdelay $0x3  }
0x96: {  	_ =	strace s2  }
0x97: {  	_ =	strace $0x8FFFFFFF  }
0x98: {  	s18 =	sld [smem:$0x3FDB];
	_ =	sdelay $0x1  }
0x99: {  	s19 =	simm.s32 $_scs_section_size  }
0x9a: {  	s4 =	simm.s32 $_size__tile_overlayer_lowered;
	s5 =	simm.s32 $_tile_overlayer_lowered  }
0x9b: {  	s22 =	simm.s32 $0x1BFF;
	s21 =	sshll.u32 s5, $0x1;
	s2 =	sadd.s32 s19, s18  }
0x9c: {  	s6 =	simm.s32 $0x0;
	s20 =	sshll.u32 s4, $0x1;
	s4 =	sadd.s32 s21, s2  }
0x9d: {  	[timem:s6], [sflag:s22] =	dma.local [hbm:s4], s20  }
0x9e: {  	_ =	swait.ge [sflag:s22], s20  }
0x9f: {  	s3 =	ssub.s32 $0x0, s20;
	[sflag:s22] =	ssyncset.done $0x0  }
0xa0: {  	[sflag:s22] =	ssyncadd.s32 s3;
	_ =	sdelay $0x1  }
0xa1: {  	s23 =	simm.s32 $0x1B8B  }
0xa2: {  	_ =	swait.ge [sflag:s23], $0x1  }
0xa3: {  	[sflag:s23] =	ssyncset.done $0x0  }
0xa4: {  	s25 =	simm.s32 $0x1B8E;
	s24 =	sld [smem:$0x3FFE];
	[sflag:s23] =	ssyncadd.s32 $0xFFFFFFFF  }
0xa5: {  	s26 =	simm.s32 $execute0_lowered;
	[smem:$0x3FD2] =	sst s25  }
0xa6: {  	s4 =	sshll.u32 s26, $0x1;
	_ =	strace $0x80000046;
	[dreg:$0x1] =	wrdreg $0xFFFFFFFF  }
0xa7: {  	s28 =	simm.s32 $_size_execute0_lowered;
	s2 =	sadd.s32 s2, s4;
	[dreg:$0x0] =	wrdreg $0x0  }
0xa8: {  	s4 =	sshll.u32 s28, $0x1;
	[dreg:$0x2] =	wrdreg s2  }
0xa9: {  	[dreg:$0x3] =	wrdreg s4  }
0xaa: {  	[dreg:$0x4] =	wrdreg $0xC0  }
0xab: {  	_ =	task [dreg:s6], $0x5FFFF  }
0xac: {  	[dreg:$0x1] =	wrdreg $0xFFFFFFFF  }
0xad: {  	[dreg:$0x0] =	wrdreg $0x60  }
0xae: {  	[dreg:$0x2] =	wrdreg s24  }
0xaf: {  	[dreg:$0x3] =	wrdreg $0x9  }
0xb0: {  	_ =	task.clear_ibuf [dreg:s6], $0x4FFFF;
	_ =	strace $0x90000046  }
0xb1: {  	s29 =	simm.s32 $0x9;
	_ =	strace $0x80000048  }
0xb2: {  	_ =	swait.ge [sflag:s29], $0x1  }
0xb3: {  	[sflag:s29] =	ssyncadd.s32 $0xFFFFFFFF  }
0xb4: {  	_ =	strace $0x90000048  }
0xb5: {  	_ =	sfence  }
0xb6: {  	s30 =	sld [smem:$0x0];
	_ =	sdelay $0x2  }
0xb7: {  	s31 =	sshll.u32 s1, $0xD;
	s1 =	sshrl.u32 s1, $0x2  }
0xb8: {  	s3 =	sand.u32 $0x4000, s31;
	s1 =	sadd.s32 s1, s30  }
0xb9: {  	s0 =	sor.u32 s3, s0;
	s1 =	sshll.u32 s1, $0x11  }
0xba: {  	s0 =	sor.u32 s1, s0  }
0xbb: {  	s0 =	sadd.s32 $0x8F2B, s0  }
0xbc: {  	[sflag:s0] =	ssyncadd.remote.s32 $0x1  }
0xbd: {  	_ =	sfence.sel $0xFFFF  }
0xbe: {  	[dreg:$0x0] =	wrdreg $0xFFFFFFFF;
	(pc) =	sbr.abs _section_cstart, $3  }
0xbf: {  	[dreg:$0x1] =	wrdreg $0xFFFFFFFF  }
0xc0: {  	_ =	task.clear_ibuf [dreg:s6], $0x2FFFF;
	_ =	strace $0x9FFFFFFF  }
0xc1: {  	(tm) =	ssettm $0x7FFFFFFF  }
tec
execute0_lowered:
.L_overlay_start_1:
0x0: {  	(tag) =	ssettag $0x1  }
0x1: {  	s1 =	srdreg.scid;
	s0 =	stileid.u32  }
0x2: {  	s2 =	sand.u32 $0x1, s1;
	s3 =	smul.u32 $0x61A800, s0  }
0x3: {  	s4 =	rddreg [dreg:$0x0];
	s5 =	smul.u32 $0x30D400, s2  }
0x4: {  	s1 =	rddreg [dreg:$0x1];
	s6 =	ssub.s32 $0x2, s2  }
0x5: {  	s2 =	simm.s32 $0x0;
	s31 =	sshrl.u32 s6, $0x1;
	s3 =	sadd.s32 s5, s3  }
0x6: {  	[smem:$0x7FF] =	sst s2;
	s5 =	ssub.s32 s6, s31;
	s3 =	sshrl.u32 s3, $0x3  }
0x7: {  	_ =	strace $0x80000047;
	s6 =	simm.s32 $0x0;
	s4 =	sadd.s32 s3, s4  }
0x8: {  	v0 =	vimm.f32 $0.0e+00;
	s3 =	smax.u32 s5, $0x1;
	s5 =	simm.s32 $0x1;
	s4 =	sadd.s32 $0x600, s4  }
.LBB2_1:
0x9: {  	s7 =	simm.s32 $0x0  }
.LBB2_2:
0xa: {  	p0 =	sne.s32 s7, $0x270C0  }
.Ltmp0:
0xb: {  	_ = 	snop;
	(pc) =	sbr.rel @p0 .LBB2_2-.Ltmp0, $3  }
0xc: {  	_ =	sdelay $0x1  }
0xd: {  	s8 =	sshra.s32 s7, $0x2  }
0xe: {  	s7 =	sadd.s32 $0x40, s7;
	[tilespmem:s8+$0x0] =	vst v0  }
0xf: {  	s7 =	simm.s32 $0x0  }
.LBB2_4:
0x10: {  	p0 =	sne.s32 s7, $0x606F8  }
.Ltmp1:
0x11: {  	_ = 	snop;
	(pc) =	sbr.rel @p0 .LBB2_4-.Ltmp1, $3  }
0x12: {  	_ =	sdelay $0x1  }
0x13: {  	s8 =	sadd.s32 s7, s4;
	s7 =	sadd.s32 $0x1388, s7  }
0x14: {  	[hbm4b:s8+s2] =	stream.linear.scatter [tilespmem:s2], [sflag:$0x1], $0x9C40, $0x38;
	[tilespmem:$0x9C40] =	vst v63  }
0x15: {  	_ =	swait.ge [sflag:s5], $0x9C40  }
0x16: {  	s7 =	simm.s32 $0x4F;
	[sflag:s5] =	ssyncset.done $0x0  }
.LBB2_6:
0x17: {  	p0 =	sne.s32 s7, $0x1;
	s7 =	sadd.s32 $0xFFFFFFFF, s7;
	[sflag:s5] =	ssyncadd.s32 $0xFFFF63C0  }
.Ltmp2:
0x18: {  	(pc) =	sbr.rel @p0 .LBB2_6-.Ltmp2, $3  }
0x19: {  	_ =	sdelay $0x1  }
0x1a: {  	_ =	swait.ge [sflag:s5], $0x9C40  }
0x1b: {  	[sflag:s5] =	ssyncset.done $0x0  }
0x1c: {  	s6 =	sadd.s32 $0x1, s6  }
0x1d: {  	p0 =	sne.s32 s6, s3  }
.Ltmp3:
0x1e: {  	_ = 	snop;
	(pc) =	sbr.rel @p0 .LBB2_1-.Ltmp3, $2  }
0x1f: {  	_ =	sdelay $0x2  }
0x20: {  	[sflag:s5] =	ssyncadd.s32 $0xFFFF63C0  }
0x21: {  	_ =	sfence.sel $0x180000  }
0x22: {  	[bflag:$0x0] =	sbarrier.arrive $0xFFFF  }
0x23: {  	p0 =	sne.s32 s0, $0x0;
	_ =	strace $0x90000047  }
0x24: {  	s0 =	sadd.s32 @!p0 $0x100000, s1;
	[bflag:$0x2] =	sbarrier.arrive $0xFFFF  }
0x25: {  	[sflag:s0] =	ssyncadd.tile.s32 @!p0 $0x1;
	_ =	shalt  }
.Lfunc_end2:
_tile_overlayer_lowered:
.L_overlay_start_2:
0x26: {  	(tag) =	ssettag $0x2  }
0x27: {  	s0 =	rddreg [dreg:$0x0];
	s2 =	stileid.u32  }
0x28: {  	s1 =	rddreg [dreg:$0x1];
	p0 =	sne.s32 s2, $0x0  }
0x29: {  	s3 =	rddreg [dreg:$0x2];
	[bflag:$0x3] =	sbarrier.arrive $0xFFFF;
	s2 =	simm.s32 @!p0 $0x1C02  }
0x2a: {  	[timem:s3], [sflag:s2] =	dma.local @!p0 [hbm:s0], s1  }
0x2b: {  	s0 =	simm.s32 @!p0 $0x2  }
0x2c: {  	_ =	swait.ge @!p0 [sflag:s0], s1  }
0x2d: {  	s1 =	ssub.s32 @!p0 $0x0, s1;
	[sflag:s0] =	ssyncset.done @!p0 $0x0  }
0x2e: {  	[sflag:s0] =	ssyncadd.s32 @!p0 s1  }
0x2f: {  	[bflag:$0x3] =	sbarrier.arrive $0xFFFF  }
0x30: {  	_ =	shalt  }

// kernel: kernel.8.cloned.1.call-start
scs
__scs_entry_jumppad:
0x0: {  	(pc) =	sbr.rel $0x88, $3  }
0x1: {  	(tag) =	ssettag $0x0;
	lr =	simm.s32 $0x1  }
0x2: {  	[smem:$0x3F9F] =	sst lr;
	_ =	strace $0xD0000000  }
0x3: {  	_ = 	snop  }
0x4: {  	_ = 	snop  }
0x5: {  	_ = 	snop  }
0x6: {  	_ = 	snop  }
0x7: {  	_ = 	snop  }
__scs_overlays_trampoline_lowered:
0x8: {  	[smem:$0x3FAE] =	sst s0  }
0x9: {  	[smem:$0x3FAF] =	sst s1  }
0xa: {  	[smem:$0x3FB0] =	sst s2  }
0xb: {  	[smem:$0x3FB1] =	sst s3  }
0xc: {  	[smem:$0x3FB2] =	sst s4  }
0xd: {  	[smem:$0x3FB3] =	sst s5  }
0xe: {  	[smem:$0x3FB4] =	sst s6  }
0xf: {  	[smem:$0x3FB5] =	sst s7  }
0x10: {  	[smem:$0x3FB6] =	sst s8  }
0x11: {  	[smem:$0x3FB7] =	sst s9;
	s0 =	simm.s32 @!p0 $0x0  }
0x12: {  	s1 =	sld [smem:$0x3F9D];
	s0 =	simm.s32 @p0 $0x1  }
0x13: {  	[smem:$0x3FB8] =	sst s0;
	s0 =	simm.s32 @!p1 $0x0  }
0x14: {  	s2 =	sld [smem:$0x3F9C];
	s0 =	simm.s32 @p1 $0x1  }
0x15: {  	[smem:$0x3FB9] =	sst s0;
	s0 =	simm.s32 @!p2 $0x0  }
0x16: {  	s3 =	sld [smem:$0x3FDB];
	s0 =	simm.s32 @p2 $0x1  }
0x17: {  	s4 =	simm.s32 $0x1BF5;
	[smem:$0x3FBB] =	sst s0  }
0x18: {  	s0 =	sld [smem:$0x3F9E];
	_ =	swait.ge [sflag:s4], $0x0  }
0x19: {  	s7 =	sld [smem:$0x3F9F]  }
0x1a: {  	s8 =	sadd.s32 $0xFFFFE003, lr  }
0x1b: {  	s9 =	sadd.s32 $0xFFFFFEF7, lr;
	s5 =	simm.s32 $0xFFFFFFFF;
	p2 =	slt.u32 s8, $0xFFFFF086  }
0x1c: {  	p1 =	slt.u32 s9, $0xF7A;
	s5 =	simm.s32 @!p2 $0x0  }
0x1d: {  	s5 =	simm.s32 @p1 $0x1;
	p0 =	seq.s32 s7, s2  }
0x1e: {  	s7 =	smul.u32 @!p0 $0xF7A, s2;
	p2 =	seq.s32 @!p0 s5, $0x0  }
0x1f: {  	s9 =	smul.u32 $0xF7A, s1;
	s8 =	simm.s32 @!p0 $0x1BF5;
	p2 =	por !p2, p0  }
0x20: {  	[sflag:s8] =	ssyncset.s32 @!p0 $0xFFFFF086;
	s6 =	sadd.s32 @!p0 s3, s7;
	s7 =	simm.s32 @!p0 $0x108  }
0x21: {  	s3 =	sadd.s32 s3, s9;
	s6 =	sadd.s32 @!p0 $0x88, s6;
	s7 =	simm.s32 @p2 $0x1082  }
0x22: {  	[simem:s7], [sflag:s8] =	dma.local @!p0 [hbm:s6], $0xF7A  }
0x23: {  	s9 =	sor.u32 $0xD0000000, s2;
	s6 =	simm.s32 $0x108;
	_ =	swait.ge @!p0 [sflag:s8], $0x0  }
0x24: {  	s3 =	sadd.s32 $0x88, s3;
	s6 =	simm.s32 @!p1 $0x1082;
	[sflag:s4] =	ssyncset.s32 $0xFFFFF086  }
0x25: {  	[simem:s6], [sflag:s4] =	dma.local [hbm:s3], $0xF7A  }
0x26: {  	[smem:$0x3F9F] =	sst s1;
	(tag) =	ssettag s2;
	_ =	strace s9  }
0x27: {  	s1 =	sld [smem:$0x3FAF]  }
0x28: {  	s2 =	sld [smem:$0x3FB0]  }
0x29: {  	s4 =	sld [smem:$0x3FB2]  }
0x2a: {  	p0 =	seq.s32 s5, $0x0;
	s5 =	sld [smem:$0x3FB3]  }
0x2b: {  	s6 =	sld [smem:$0x3FB4]  }
0x2c: {  	s7 =	sld [smem:$0x3FB5]  }
0x2d: {  	s3 =	simm.s32 $0x108;
	s8 =	sld [smem:$0x3FB6]  }
0x2e: {  	s3 =	simm.s32 @!p0 $0x1082;
	s9 =	sld [smem:$0x3FB7]  }
0x2f: {  	lr =	sadd.s32 s0, s3;
	s0 =	sld [smem:$0x3FAE]  }
0x30: {  	s3 =	sld [smem:$0x3FB1]  }
0x31: {  	[smem:$0x3FBA] =	sst s10  }
0x32: {  	s10 =	sld [smem:$0x3FB8];
	_ =	sdelay $0x3  }
0x33: {  	p0 =	seq.s32 s10, $0x1;
	s10 =	sld [smem:$0x3FBA];
	_ =	sdelay $0x3  }
0x34: {  	[smem:$0x3FBA] =	sst s10  }
0x35: {  	s10 =	sld [smem:$0x3FB9];
	_ =	sdelay $0x3  }
0x36: {  	p1 =	seq.s32 s10, $0x1;
	s10 =	sld [smem:$0x3FBA];
	_ =	sdelay $0x3  }
0x37: {  	[smem:$0x3FBA] =	sst s10  }
0x38: {  	s10 =	sld [smem:$0x3FBB]  }
0x39: {  	_ = 	snop;
	(pc) =	sbr.ind lr, $3  }
0x3a: {  	_ = 	snop  }
0x3b: {  	_ = 	snop  }
0x3c: {  	p2 =	seq.s32 s10, $0x1;
	s10 =	sld [smem:$0x3FBA]  }
0x3d: {  	_ =	shalt  }
0x3e: {  	_ =	shalt  }
0x3f: {  	_ =	shalt  }
0x40: {  	_ =	shalt  }
0x41: {  	_ =	shalt  }
0x42: {  	_ =	shalt  }
0x43: {  	_ =	shalt  }
0x44: {  	_ =	shalt  }
0x45: {  	_ =	shalt  }
0x46: {  	_ =	shalt  }
0x47: {  	_ =	shalt  }
0x48: {  	_ =	shalt  }
0x49: {  	_ =	shalt  }
0x4a: {  	_ =	shalt  }
0x4b: {  	_ =	shalt  }
0x4c: {  	_ =	shalt  }
0x4d: {  	_ =	shalt  }
0x4e: {  	_ =	shalt  }
0x4f: {  	_ =	shalt  }
0x50: {  	_ =	shalt  }
0x51: {  	_ =	shalt  }
0x52: {  	_ =	shalt  }
0x53: {  	_ =	shalt  }
0x54: {  	_ =	shalt  }
0x55: {  	_ =	shalt  }
0x56: {  	_ =	shalt  }
0x57: {  	_ =	shalt  }
0x58: {  	_ =	shalt  }
0x59: {  	_ =	shalt  }
0x5a: {  	_ =	shalt  }
0x5b: {  	_ =	shalt  }
0x5c: {  	_ =	shalt  }
0x5d: {  	_ =	shalt  }
0x5e: {  	_ =	shalt  }
0x5f: {  	_ =	shalt  }
0x60: {  	_ =	shalt  }
0x61: {  	_ =	shalt  }
0x62: {  	_ =	shalt  }
0x63: {  	_ =	shalt  }
0x64: {  	_ =	shalt  }
0x65: {  	_ =	shalt  }
0x66: {  	_ =	shalt  }
0x67: {  	_ =	shalt  }
0x68: {  	_ =	shalt  }
0x69: {  	_ =	shalt  }
0x6a: {  	_ =	shalt  }
0x6b: {  	_ =	shalt  }
0x6c: {  	_ =	shalt  }
0x6d: {  	_ =	shalt  }
0x6e: {  	_ =	shalt  }
0x6f: {  	_ =	shalt  }
0x70: {  	_ =	shalt  }
0x71: {  	_ =	shalt  }
0x72: {  	_ =	shalt  }
0x73: {  	_ =	shalt  }
0x74: {  	_ =	shalt  }
0x75: {  	_ =	shalt  }
0x76: {  	_ =	shalt  }
0x77: {  	_ =	shalt  }
0x78: {  	_ =	shalt  }
0x79: {  	_ =	shalt  }
0x7a: {  	_ =	shalt  }
0x7b: {  	_ =	shalt  }
0x7c: {  	_ =	shalt  }
0x7d: {  	_ =	shalt  }
0x7e: {  	_ =	shalt  }
0x7f: {  	_ =	shalt  }
0x80: {  	_ =	shalt  }
0x81: {  	_ =	shalt  }
0x82: {  	_ =	shalt  }
0x83: {  	_ =	shalt  }
0x84: {  	_ =	shalt  }
0x85: {  	_ =	shalt  }
0x86: {  	_ =	shalt  }
0x87: {  	_ =	shalt  }
.Lfunc_end0:
.L_simem_size_0:
called_computation.1_lowered:
.L_overlay_start_0:
0x88: {  	s2 =	sld [smem:$0x3FD9]  }
0x89: {  	s3 =	sld [smem:$0x3FFE];
	_ =	sdelay $0x1  }
0x8a: {  	s1 =	srdreg.scid  }
0x8b: {  	s0 =	sand.u32 $0x1, s1  }
0x8c: {  	s16 =	sshll.u32 s0, $0xA;
	s2 =	sadd.s32 s3, s2  }
0x8d: {  	s2 =	sadd.s32 s2, s16  }
0x8e: {  	[smem:$0x3FC6] =	sst s2  }
0x8f: {  	_ = 	snop  }
0x90: {  	(tm) =	ssettm $0x1  }
0x91: {  	s17 =	sld [smem:$0x3FFB];
	_ =	sdelay $0x3  }
0x92: {  	_ =	strace s17  }
0x93: {  	s2 =	sld [smem:$0x3FFC];
	_ =	sdelay $0x3  }
0x94: {  	_ =	strace s2  }
0x95: {  	s2 =	sld [smem:$0x3FFD];
	_ =	sdelay $0x3  }
0x96: {  	_ =	strace s2  }
0x97: {  	_ =	strace $0x8FFFFFFF  }
0x98: {  	s18 =	sld [smem:$0x3FDB];
	_ =	sdelay $0x1  }
0x99: {  	s19 =	simm.s32 $_scs_section_size  }
0x9a: {  	s4 =	simm.s32 $_size__tile_overlayer_lowered;
	s5 =	simm.s32 $_tile_overlayer_lowered  }
0x9b: {  	s22 =	simm.s32 $0x1BFF;
	s21 =	sshll.u32 s5, $0x1;
	s2 =	sadd.s32 s19, s18  }
0x9c: {  	s6 =	simm.s32 $0x0;
	s20 =	sshll.u32 s4, $0x1;
	s4 =	sadd.s32 s21, s2  }
0x9d: {  	[timem:s6], [sflag:s22] =	dma.local [hbm:s4], s20  }
0x9e: {  	_ =	swait.ge [sflag:s22], s20  }
0x9f: {  	s3 =	ssub.s32 $0x0, s20;
	[sflag:s22] =	ssyncset.done $0x0  }
0xa0: {  	[sflag:s22] =	ssyncadd.s32 s3;
	_ =	sdelay $0x1  }
0xa1: {  	s23 =	simm.s32 $0x1B8B  }
0xa2: {  	_ =	swait.ge [sflag:s23], $0x1  }
0xa3: {  	[sflag:s23] =	ssyncset.done $0x0  }
0xa4: {  	s25 =	simm.s32 $0x1B8E;
	s24 =	sld [smem:$0x3FFE];
	[sflag:s23] =	ssyncadd.s32 $0xFFFFFFFF  }
0xa5: {  	s26 =	simm.s32 $execute0_lowered;
	[smem:$0x3FD2] =	sst s25  }
0xa6: {  	s4 =	sshll.u32 s26, $0x1;
	_ =	strace $0x80000049;
	[dreg:$0x1] =	wrdreg $0xFFFFFFFF  }
0xa7: {  	s28 =	simm.s32 $_size_execute0_lowered;
	s2 =	sadd.s32 s2, s4;
	[dreg:$0x0] =	wrdreg $0x0  }
0xa8: {  	s4 =	sshll.u32 s28, $0x1;
	[dreg:$0x2] =	wrdreg s2  }
0xa9: {  	[dreg:$0x3] =	wrdreg s4  }
0xaa: {  	[dreg:$0x4] =	wrdreg $0xC0  }
0xab: {  	_ =	task [dreg:s6], $0x5FFFF  }
0xac: {  	[dreg:$0x1] =	wrdreg $0xFFFFFFFF  }
0xad: {  	[dreg:$0x0] =	wrdreg $0x60  }
0xae: {  	[dreg:$0x2] =	wrdreg s24  }
0xaf: {  	[dreg:$0x3] =	wrdreg $0x9  }
0xb0: {  	_ =	task.clear_ibuf [dreg:s6], $0x4FFFF;
	_ =	strace $0x90000049  }
0xb1: {  	s29 =	simm.s32 $0x9;
	_ =	strace $0x8000004B  }
0xb2: {  	_ =	swait.ge [sflag:s29], $0x1  }
0xb3: {  	[sflag:s29] =	ssyncadd.s32 $0xFFFFFFFF  }
0xb4: {  	_ =	strace $0x9000004B  }
0xb5: {  	_ =	sfence  }
0xb6: {  	s30 =	sld [smem:$0x0];
	_ =	sdelay $0x2  }
0xb7: {  	s31 =	sshll.u32 s1, $0xD;
	s1 =	sshrl.u32 s1, $0x2  }
0xb8: {  	s3 =	sand.u32 $0x4000, s31;
	s1 =	sadd.s32 s1, s30  }
0xb9: {  	s0 =	sor.u32 s3, s0;
	s1 =	sshll.u32 s1, $0x11  }
0xba: {  	s0 =	sor.u32 s1, s0  }
0xbb: {  	s0 =	sadd.s32 $0x8F2B, s0  }
0xbc: {  	[sflag:s0] =	ssyncadd.remote.s32 $0x1  }
0xbd: {  	_ =	sfence.sel $0xFFFF  }
0xbe: {  	[dreg:$0x0] =	wrdreg $0xFFFFFFFF;
	(pc) =	sbr.abs _section_cstart, $3  }
0xbf: {  	[dreg:$0x1] =	wrdreg $0xFFFFFFFF  }
0xc0: {  	_ =	task.clear_ibuf [dreg:s6], $0x2FFFF;
	_ =	strace $0x9FFFFFFF  }
0xc1: {  	(tm) =	ssettm $0x7FFFFFFF  }
tec
execute0_lowered:
.L_overlay_start_1:
0x0: {  	(tag) =	ssettag $0x1  }
0x1: {  	s1 =	srdreg.scid;
	s0 =	stileid.u32  }
0x2: {  	s4 =	rddreg [dreg:$0x0];
	s2 =	simm.s32 $0x0;
	s8 =	simm.s32 $0x80  }
0x3: {  	s9 =	simm.s32 $0x2;
	s3 =	sand.u32 $0x1, s1;
	s31 =	sshll.u32 s0, $0x1  }
0x4: {  	s10 =	simm.s32 $0x0;
	s1 =	rddreg [dreg:$0x1];
	s5 =	sor.u32 s3, s31  }
0x5: {  	[smem:$0x7FF] =	sst s2;
	s6 =	ssub.s32 $0x2, s3;
	s5 =	smul.u32 $0x320, s5  }
0x6: {  	_ =	strace $0x8000004A;
	s3 =	sadd.s32 $0x600, s4;
	s7 =	sshrl.u32 s6, $0x1  }
0x7: {  	s6 =	ssub.s32 s6, s7;
	s7 =	simm.s32 $0x3220;
	s5 =	sadd.s32 s5, s4  }
0x8: {  	v0 =	vlaneseq.u32;
	s6 =	smax.u32 s6, $0x1;
	s4 =	sadd.s32 $0xC35600, s5;
	s5 =	sadd.s32 $0xC3BC00, s5  }
.LBB2_1:
0x9: {  	[tilespmem:s2], [sflag:$0x1] =	stream.linear.gather [hbm4b:s4+s2], $0x1910, $0x38;
	[tilespmem:$0x7D30] =	vst v63  }
0xa: {  	s11 =	simm.s32 $0x1910;
	s12 =	simm.s32 $0x1  }
0xb: {  	[tilespmem:s11], [sflag:$0x1] =	stream.linear.gather [hbm4b:s5+s2], $0x1910, $0x38;
	[tilespmem:$0x7D30] =	vst v63  }
0xc: {  	_ =	swait.ge [sflag:s12], $0x1910  }
0xd: {  	v1 =	vadd.s32 s12, v0;
	[sflag:s12] =	ssyncset.done $0x0  }
0xe: {  	[sflag:s12] =	ssyncadd.s32 $0xFFFFE6F0  }
0xf: {  	_ =	swait.ge [sflag:s12], $0x1910  }
0x10: {  	[sflag:s12] =	ssyncset.done $0x0  }
0x11: {  	[sflag:s12] =	ssyncadd.s32 $0xFFFFE6F0  }
0x12: {  	v3 =	vld.idx.msk [tilespmem:v1+s11+$0x0], $0xffff  }
0x13: {  	v4 =	vld.idx.msk [tilespmem:v1+s2+$0x0], $0xffff  }
0x14: {  	v5 =	vld [tilespmem:s2+$0x0]  }
0x15: {  	v6 =	vld [tilespmem:s11+$0x0]  }
0x16: {  	s31 =	simm.s32 $0x11  }
0x17: {  	v2 =	vadd.s32 s31, v0;
	_ =	sdelay $0x1  }
0x18: {  	vm0 =	veq.s32 v4, v5  }
0x19: {  	v3 =	vsel vm0, v3, v6  }
0x1a: {  	[tilespmem:s7+$0x0] =	vst v3  }
0x1b: {  	v3 =	vld.idx.msk [tilespmem:v2+s11+$0x0], $0xffff  }
0x1c: {  	s14 =	simm.s32 $0x10;
	v4 =	vld.idx.msk [tilespmem:v2+s2+$0x0], $0xffff  }
0x1d: {  	s15 =	simm.s32 $0x1920;
	v6 =	vld [tilespmem:s14+$0x0]  }
0x1e: {  	v7 =	vld [tilespmem:s15+$0x0]  }
0x1f: {  	s13 =	simm.s32 $0x21  }
0x20: {  	v5 =	vadd.s32 s13, v0  }
0x21: {  	s17 =	simm.s32 $0x31;
	s16 =	simm.s32 $0x3220  }
.LBB2_2:
0x22: {  	p0 =	sne.s32 s17, $0x1901;
	vm0 =	veq.s32 v4, v6  }
0x23: {  	s16 =	sadd.s32 $0x10, s16;
	v3 =	vsel vm0, v3, v7  }
0x24: {  	[tilespmem:s16+$0x0] =	vst v3  }
0x25: {  	s12 =	simm.s32 $0x0;
	v3 =	vld.idx.msk [tilespmem:v5+s11+$0x0], $0xffff  }
0x26: {  	s14 =	sadd.s32 $0x10, s14;
	v4 =	vld.idx.msk [tilespmem:v5+s12+$0x0], $0xffff  }
.Ltmp0:
0x27: {  	s15 =	sadd.s32 $0x10, s15;
	v6 =	vld [tilespmem:s14+$0x0];
	(pc) =	sbr.rel @p0 .LBB2_2-.Ltmp0, $3  }
0x28: {  	v7 =	vld [tilespmem:s15+$0x0];
	_ =	sdelay $0x1  }
0x29: {  	v5 =	vadd.s32 s17, v0  }
0x2a: {  	s17 =	sadd.s32 $0x10, s17  }
0x2b: {  	_ = 	snop  }
0x2c: {  	vm0 =	veq.s32 v4, v6  }
0x2d: {  	s16 =	sadd.s32 $0x10, s16;
	v3 =	vsel vm0, v3, v7  }
0x2e: {  	[tilespmem:s16+$0x0] =	vst v3  }
0x2f: {  	v3 =	vld.idx.msk [tilespmem:v5+s11+$0x0], $0xffff  }
0x30: {  	s14 =	sadd.s32 $0x10, s14;
	v4 =	vld.idx.msk [tilespmem:v5+s12+$0x0], $0xffff  }
0x31: {  	s29 =	sadd.s32 $0x10, s15;
	v5 =	vld [tilespmem:s14+$0x0]  }
0x32: {  	v6 =	vld [tilespmem:s29+$0x0];
	_ =	sdelay $0x3  }
0x33: {  	vm14 =	veq.s32 v4, v5  }
0x34: {  	s30 =	sadd.s32 $0x10, s16;
	v3 =	vsel vm14, v3, v6  }
0x35: {  	[tilespmem:s30+$0x0] =	vst v3  }
0x36: {  	v3 =	vld.idx.msk [tilespmem:v1+s7+$0x0], $0xffff  }
0x37: {  	v1 =	vld.idx.msk [tilespmem:v1+s12+$0x0], $0xffff  }
0x38: {  	s31 =	simm.s32 $0x3220;
	v4 =	vld [tilespmem:s12+$0x0]  }
0x39: {  	v5 =	vld [tilespmem:s31+$0x0];
	_ =	sdelay $0x3  }
0x3a: {  	vm15 =	veq.s32 v1, v4  }
0x3b: {  	v1 =	vsel vm15, v3, v5  }
0x3c: {  	[tilespmem:s11+$0x0] =	vst v1  }
0x3d: {  	v1 =	vld.idx.msk [tilespmem:v2+s7+$0x0], $0xffff  }
0x3e: {  	s14 =	simm.s32 $0x10;
	v2 =	vld.idx.msk [tilespmem:v2+s12+$0x0], $0xffff  }
0x3f: {  	s15 =	simm.s32 $0x3230;
	v4 =	vld [tilespmem:s14+$0x0]  }
0x40: {  	v5 =	vld [tilespmem:s15+$0x0];
	_ =	sdelay $0x1  }
0x41: {  	v3 =	vadd.s32 s13, v0  }
0x42: {  	s13 =	simm.s32 $0x31  }
.LBB2_4:
0x43: {  	p0 =	sne.s32 s13, $0x1901;
	vm0 =	veq.s32 v2, v4  }
0x44: {  	s11 =	sadd.s32 $0x10, s11;
	v1 =	vsel vm0, v1, v5  }
0x45: {  	[tilespmem:s11+$0x0] =	vst v1  }
0x46: {  	v1 =	vld.idx.msk [tilespmem:v3+s7+$0x0], $0xffff  }
0x47: {  	s14 =	sadd.s32 $0x10, s14;
	v2 =	vld.idx.msk [tilespmem:v3+s12+$0x0], $0xffff  }
.Ltmp1:
0x48: {  	s15 =	sadd.s32 $0x10, s15;
	v4 =	vld [tilespmem:s14+$0x0];
	(pc) =	sbr.rel @p0 .LBB2_4-.Ltmp1, $3  }
0x49: {  	v5 =	vld [tilespmem:s15+$0x0];
	_ =	sdelay $0x1  }
0x4a: {  	v3 =	vadd.s32 s13, v0  }
0x4b: {  	s13 =	sadd.s32 $0x10, s13  }
0x4c: {  	_ = 	snop  }
0x4d: {  	vm0 =	veq.s32 v2, v4  }
0x4e: {  	s11 =	sadd.s32 $0x10, s11;
	v1 =	vsel vm0, v1, v5  }
0x4f: {  	[tilespmem:s11+$0x0] =	vst v1  }
0x50: {  	v1 =	vld.idx.msk [tilespmem:v3+s7+$0x0], $0xffff  }
0x51: {  	s30 =	sadd.s32 $0x10, s14;
	v2 =	vld.idx.msk [tilespmem:v3+s12+$0x0], $0xffff  }
0x52: {  	s31 =	sadd.s32 $0x10, s15;
	v3 =	vld [tilespmem:s30+$0x0]  }
0x53: {  	v63 =	vld [tilespmem:s31+$0x0]  }
0x54: {  	p1 =	por $0x1, $0x1  }
.Ltmp2:
0x55: {  	_ = 	snop;
	(pc) =	sbr.rel @!p1 .LBB2_6-.Ltmp2, $4  }
0x56: {  	_ = 	snop  }
0x57: {  	vm15 =	veq.s32 v2, v3  }
0x58: {  	s11 =	sadd.s32 $0x10, s11;
	v1 =	vsel vm15, v1, v63  }
0x59: {  	p0 =	por $0x0, $0x0;
	[tilespmem:s11+$0x0] =	vst v1;
	s11 =	simm.s32 $0x0  }
0x5a: {  	v1 =	vld [tilespmem:s11+$0x1980]  }
0x5b: {  	v2 =	vld [tilespmem:s11+$0x0]  }
0x5c: {  	v3 =	vld [tilespmem:s11+$0x1910]  }
0x5d: {  	v4 =	vld [tilespmem:s11+$0x10]  }
0x5e: {  	v5 =	vld [tilespmem:s11+$0x1920]  }
0x5f: {  	v6 =	vld [tilespmem:s11+$0x20];
	[tilespmem:s11+$0x64A0] =	vst v1  }
0x60: {  	[tilespmem:s11+$0x4B30] =	vst v2;
	v1 =	vld [tilespmem:s11+$0x1930]  }
0x61: {  	[tilespmem:s11+$0x6430] =	vst v3;
	v2 =	vld [tilespmem:s11+$0x30]  }
0x62: {  	[tilespmem:s11+$0x4B40] =	vst v4;
	v3 =	vld [tilespmem:s11+$0x1940]  }
0x63: {  	[tilespmem:s11+$0x6440] =	vst v5;
	v4 =	vld [tilespmem:s11+$0x40]  }
0x64: {  	p1 =	por $0x1, $0x1;
	[tilespmem:s11+$0x4B50] =	vst v6;
	v5 =	vld [tilespmem:s11+$0x1950]  }
.Ltmp3:
0x65: {  	[tilespmem:s11+$0x6450] =	vst v1;
	v1 =	vld [tilespmem:s11+$0x50];
	(pc) =	sbr.rel @!p1 .LBB2_9-.Ltmp3, $4  }
0x66: {  	[tilespmem:s11+$0x4B60] =	vst v2;
	v2 =	vld [tilespmem:s11+$0x1960]  }
0x67: {  	[tilespmem:s11+$0x6460] =	vst v3;
	v3 =	vld [tilespmem:s11+$0x60]  }
0x68: {  	[tilespmem:s11+$0x4B70] =	vst v4;
	v4 =	vld [tilespmem:s11+$0x1970]  }
0x69: {  	s12 =	simm.s32 $0x80;
	s13 =	simm.s32 $0x400;
	p0 =	por $0x1, $0x1;
	[tilespmem:s11+$0x6470] =	vst v5;
	v5 =	vld [tilespmem:s11+$0x70]  }
.LBB2_8:
0x6a: {  	p1 =	sne.s32 s13, $0x6200;
	v6 =	vld [tilespmem:s12+$0x1980];
	[tilespmem:s11+$0x4B80] =	vst v1  }
0x6b: {  	v1 =	vld [tilespmem:s12+$0x0];
	[tilespmem:s11+$0x6480] =	vst v2  }
0x6c: {  	v2 =	vld [tilespmem:s12+$0x1910];
	[tilespmem:s11+$0x4B90] =	vst v3  }
0x6d: {  	v3 =	vld [tilespmem:s12+$0x10];
	[tilespmem:s11+$0x6490] =	vst v4  }
0x6e: {  	v4 =	vld [tilespmem:s12+$0x1920];
	[tilespmem:s11+$0x4BA0] =	vst v5;
	s11 =	smov.u32 s12  }
0x6f: {  	v5 =	vld [tilespmem:s11+$0x20];
	[tilespmem:s11+$0x64A0] =	vst v6  }
0x70: {  	[tilespmem:s11+$0x4B30] =	vst v1;
	v1 =	vld [tilespmem:s11+$0x1930]  }
0x71: {  	[tilespmem:s11+$0x6430] =	vst v2;
	v2 =	vld [tilespmem:s11+$0x30]  }
0x72: {  	[tilespmem:s11+$0x4B40] =	vst v3;
	v3 =	vld [tilespmem:s11+$0x1940]  }
0x73: {  	[tilespmem:s11+$0x6440] =	vst v4;
	v4 =	vld [tilespmem:s11+$0x40]  }
0x74: {  	[tilespmem:s11+$0x4B50] =	vst v5;
	v5 =	vld [tilespmem:s11+$0x1950]  }
.Ltmp4:
0x75: {  	[tilespmem:s11+$0x6450] =	vst v1;
	v1 =	vld [tilespmem:s11+$0x50];
	(pc) =	sbr.rel @p1 .LBB2_8-.Ltmp4, $4  }
0x76: {  	[tilespmem:s11+$0x4B60] =	vst v2;
	v2 =	vld [tilespmem:s11+$0x1960]  }
0x77: {  	[tilespmem:s11+$0x6460] =	vst v3;
	v3 =	vld [tilespmem:s11+$0x60]  }
0x78: {  	[tilespmem:s11+$0x4B70] =	vst v4;
	v4 =	vld [tilespmem:s11+$0x1970]  }
0x79: {  	s12 =	sshra.s32 s13, $0x2;
	s13 =	sadd.s32 $0x200, s13;
	[tilespmem:s11+$0x6470] =	vst v5;
	v5 =	vld [tilespmem:s11+$0x70]  }
.LBB2_9:
0x7a: {  	v6 =	vld [tilespmem:s12+$0x1980];
	[tilespmem:s11+$0x4B80] =	vst @p0 v1  }
0x7b: {  	v1 =	vld [tilespmem:s12+$0x0];
	[tilespmem:s11+$0x6480] =	vst @p0 v2  }
0x7c: {  	v2 =	vld [tilespmem:s12+$0x1910];
	[tilespmem:s11+$0x4B90] =	vst @p0 v3  }
0x7d: {  	v3 =	vld [tilespmem:s12+$0x10];
	[tilespmem:s11+$0x6490] =	vst @p0 v4  }
0x7e: {  	v4 =	vld [tilespmem:s12+$0x1920];
	[tilespmem:s11+$0x4BA0] =	vst @p0 v5  }
0x7f: {  	v5 =	vld [tilespmem:s12+$0x20];
	[tilespmem:s12+$0x64A0] =	vst v6  }
0x80: {  	v60 =	vld [tilespmem:s12+$0x40];
	[tilespmem:s12+$0x4B30] =	vst v1  }
0x81: {  	v61 =	vld [tilespmem:s12+$0x1950];
	[tilespmem:s12+$0x6430] =	vst v2  }
0x82: {  	v1 =	vld [tilespmem:s12+$0x1930];
	[tilespmem:s12+$0x4B40] =	vst v3  }
0x83: {  	v2 =	vld [tilespmem:s12+$0x30];
	[tilespmem:s12+$0x6440] =	vst v4  }
0x84: {  	v3 =	vld [tilespmem:s12+$0x1940];
	[tilespmem:s12+$0x4B50] =	vst v5  }
0x85: {  	v62 =	vld [tilespmem:s12+$0x1970];
	[tilespmem:s12+$0x4B70] =	vst v60  }
0x86: {  	v63 =	vld [tilespmem:s12+$0x70];
	[tilespmem:s12+$0x6470] =	vst v61  }
0x87: {  	[tilespmem:s12+$0x6450] =	vst v1;
	v1 =	vld [tilespmem:s12+$0x50]  }
0x88: {  	[tilespmem:s12+$0x4B60] =	vst v2;
	v2 =	vld [tilespmem:s12+$0x1960]  }
0x89: {  	[tilespmem:s12+$0x6460] =	vst v3;
	v3 =	vld [tilespmem:s12+$0x60]  }
0x8a: {  	[tilespmem:s12+$0x6490] =	vst v62  }
0x8b: {  	[tilespmem:s12+$0x4BA0] =	vst v63  }
0x8c: {  	[tilespmem:s12+$0x4B80] =	vst v1  }
0x8d: {  	[tilespmem:s12+$0x6480] =	vst v2  }
0x8e: {  	s11 =	simm.s32 $0x0;
	[tilespmem:s12+$0x4B90] =	vst v3  }
.LBB2_10:
0x8f: {  	p0 =	sne.s32 s11, $0x6200  }
.Ltmp5:
0x90: {  	_ = 	snop;
	(pc) =	sbr.rel @p0 .LBB2_10-.Ltmp5, $4  }
0x91: {  	_ = 	snop  }
0x92: {  	s12 =	sshra.s32 s11, $0x2  }
0x93: {  	s11 =	sadd.s32 $0x200, s11;
	s13 =	sadd.s32 $0x6430, s12;
	s12 =	sadd.s32 $0x4B30, s12  }
0x94: {  	[hbm4b:s3+s8] =	stream.indirect.scatter [tilespmem:s13], [sflag:$0x2], $0x1, s12, s8, $0xb8;
	[tilespmem:$0x7D30] =	vst v63  }
0x95: {  	_ =	swait.ge [sflag:s9], $0x80  }
0x96: {  	s11 =	simm.s32 $0x31;
	[sflag:s9] =	ssyncset.done $0x0  }
.LBB2_12:
0x97: {  	p0 =	sne.s32 s11, $0x1;
	s11 =	sadd.s32 $0xFFFFFFFF, s11;
	[sflag:s9] =	ssyncadd.s32 $0xFFFFFF80  }
.Ltmp6:
0x98: {  	(pc) =	sbr.rel @p0 .LBB2_12-.Ltmp6, $3  }
0x99: {  	_ =	sdelay $0x1  }
0x9a: {  	_ =	swait.ge [sflag:s9], $0x80  }
0x9b: {  	[sflag:s9] =	ssyncset.done $0x0  }
0x9c: {  	s10 =	sadd.s32 $0x1, s10  }
0x9d: {  	p0 =	sne.s32 s10, s6  }
.Ltmp7:
0x9e: {  	_ = 	snop;
	(pc) =	sbr.rel @p0 .LBB2_1-.Ltmp7, $4  }
.Ltmp8:
0x9f: {  	_ = 	snop;
	(pc) =	sbr.rel @!p0 .LBB2_14-.Ltmp8, $4  }
0xa0: {  	_ = 	snop  }
0xa1: {  	_ = 	snop  }
0xa2: {  	[sflag:s9] =	ssyncadd.s32 $0xFFFFFF80  }
0xa3: {  	_ = 	snop  }
.LBB2_6:
.Ltmp9:
0xa4: {  	(pc) =	sbr.rel .LBB2_9-.Ltmp9, $2  }
0xa5: {  	_ =	sdelay $0x2  }
0xa6: {  	s12 =	simm.s32 $0x0  }
.LBB2_14:
0xa7: {  	_ =	sfence.sel $0x180000  }
0xa8: {  	[bflag:$0x0] =	sbarrier.arrive $0xFFFF  }
0xa9: {  	p0 =	sne.s32 s0, $0x0;
	_ =	strace $0x9000004A  }
0xaa: {  	s0 =	sadd.s32 @!p0 $0x100000, s1;
	[bflag:$0x2] =	sbarrier.arrive $0xFFFF  }
0xab: {  	[sflag:s0] =	ssyncadd.tile.s32 @!p0 $0x1;
	_ =	shalt  }
.Lfunc_end2:
_tile_overlayer_lowered:
.L_overlay_start_2:
0xac: {  	(tag) =	ssettag $0x2  }
0xad: {  	s0 =	rddreg [dreg:$0x0];
	s2 =	stileid.u32  }
0xae: {  	s1 =	rddreg [dreg:$0x1];
	p0 =	sne.s32 s2, $0x0  }
0xaf: {  	s3 =	rddreg [dreg:$0x2];
	[bflag:$0x3] =	sbarrier.arrive $0xFFFF;
	s2 =	simm.s32 @!p0 $0x1C03  }
0xb0: {  	[timem:s3], [sflag:s2] =	dma.local @!p0 [hbm:s0], s1  }
0xb1: {  	s0 =	simm.s32 @!p0 $0x3  }
0xb2: {  	_ =	swait.ge @!p0 [sflag:s0], s1  }
0xb3: {  	s1 =	ssub.s32 @!p0 $0x0, s1;
	[sflag:s0] =	ssyncset.done @!p0 $0x0  }
0xb4: {  	[sflag:s0] =	ssyncadd.s32 @!p0 s1  }
0xb5: {  	[bflag:$0x3] =	sbarrier.arrive $0xFFFF  }
0xb6: {  	_ =	shalt  }

</sc_bundles>
